<compile_context>
chip_gen: v7x
topology: tpu7x:2x2x1
jax: 0.10.2.dev20260603
libtpu: 0.0.44.dev20260713+nightly
codegen_flags: <defaults>
</compile_context>

<pallas_src>
import functools

import jax
import jax.numpy as jnp
from jax import lax
from jax.experimental import pallas as pl
from jax.experimental.pallas import tpu as pltpu
from jax.experimental.pallas import tpu_sc as plsc

B, L = 4096, 200
V, H = 1000000, 64
C, D = 1000, 32
H2 = 2 * H

NC, NS = 2, 16
NW = NC * NS
BPW = B // NW
SPLIT = 104
NSLOT = 3


def _sc_body(xt_hbm, y_hbm, ftab_hbm, gtab_hbm,
             encx_hbm, sums_hbm, gy_hbm,
             xraw_v, idx_v, rows_v, acc_v, yidx_v, gyrows_v,
             sem_gy, *sems):
    sem_g = sems[:NSLOT]
    sem_w = sems[NSLOT:]
    c = lax.axis_index("c")
    s = lax.axis_index("s")
    wid = s * NC + c
    base_b = wid * BPW

    pltpu.sync_copy(y_hbm.at[pl.ds(base_b, BPW)], yidx_v)
    pltpu.async_copy(gtab_hbm.at[yidx_v], gyrows_v, sem_gy).wait()
    pltpu.sync_copy(gyrows_v, gy_hbm.at[pl.ds(base_b, BPW)])

    lane = lax.iota(jnp.int32, 16)

    def stage_positions(l_lo, n_l, blocks):
        pltpu.sync_copy(xt_hbm.at[pl.ds(l_lo, n_l), pl.ds(base_b, BPW)],
                        xraw_v.at[pl.ds(0, n_l), :])

        def tr_body(b, carry):
            bvec = jnp.full((16,), 0, jnp.int32) + b
            for l0 in blocks:
                v = plsc.load_gather(xraw_v, [lane + l0, bvec])
                idx_v[b, pl.ds(l_lo + l0, 16)] = v
            return carry

        lax.fori_loop(0, BPW, tr_body, 0)

    stage_positions(0, SPLIT, [0, 16, 32, 48, 64, 80, 88])
    stage_positions(SPLIT, L - SPLIT, [0, 16, 32, 48, 64, 80])

    def start_gather(b, slot):
        pltpu.async_copy(ftab_hbm.at[idx_v.at[b, pl.ds(0, SPLIT)]],
                         rows_v.at[slot, pl.ds(0, SPLIT)], sem_g[slot])
        pltpu.async_copy(ftab_hbm.at[idx_v.at[b, pl.ds(SPLIT, L - SPLIT)]],
                         rows_v.at[slot, pl.ds(SPLIT, L - SPLIT)], sem_g[slot])

    def wait_gather(slot):
        pltpu.make_async_copy(ftab_hbm.at[idx_v.at[0, pl.ds(0, SPLIT)]],
                              rows_v.at[slot, pl.ds(0, SPLIT)],
                              sem_g[slot]).wait()
        pltpu.make_async_copy(ftab_hbm.at[idx_v.at[0, pl.ds(SPLIT, L - SPLIT)]],
                              rows_v.at[slot, pl.ds(SPLIT, L - SPLIT)],
                              sem_g[slot]).wait()

    def start_write(b, slot):
        pltpu.async_copy(rows_v.at[slot], encx_hbm.at[base_b + b], sem_w[slot])

    def wait_write(slot):
        pltpu.make_async_copy(rows_v.at[slot], encx_hbm.at[0],
                              sem_w[slot]).wait()

    def accumulate(b, slot):
        def acc_body(r, a):
            a0, a1, a2, a3 = a
            return (a0 + rows_v[slot, r, 0:16],
                    a1 + rows_v[slot, r, 16:32],
                    a2 + rows_v[slot, r, 32:48],
                    a3 + rows_v[slot, r, 48:64])

        z = jnp.zeros((16,), jnp.float32)
        a0, a1, a2, a3 = lax.fori_loop(0, L, acc_body, (z, z, z, z),
                                       unroll=4)
        acc_v[b, 0:16] = a0
        acc_v[b, 16:32] = a1
        acc_v[b, 32:48] = a2
        acc_v[b, 48:64] = a3

    start_gather(0, 0)
    start_gather(1, 1)

    def do_row(b, sl):
        wait_gather(sl)
        start_write(b, sl)
        nxt = (sl + 2) % NSLOT

        @pl.when(b >= 1)
        def _():
            wait_write(nxt)

        @pl.when(b + 2 < BPW)
        def _():
            start_gather(b + 2, nxt)

        accumulate(b, sl)

    def group_body(g, carry):
        for sl in range(NSLOT):
            do_row(g * NSLOT + sl, sl)
        return carry

    lax.fori_loop(0, BPW // NSLOT, group_body, 0)
    do_row(126, 0)
    do_row(127, 1)
    wait_write(1)
    pltpu.sync_copy(acc_v, sums_hbm.at[pl.ds(base_b, BPW)])


@functools.partial(jax.jit, static_argnums=())
def _sc_gather(xt, y, f_pad, g_table):
    mesh = plsc.VectorSubcoreMesh(core_axis_name="c", subcore_axis_name="s",
                                  num_cores=NC, num_subcores=NS)
    return pl.kernel(
        _sc_body,
        out_type=(
            jax.ShapeDtypeStruct((B, L, H2), jnp.float32),
            jax.ShapeDtypeStruct((B, H), jnp.float32),
            jax.ShapeDtypeStruct((B, D), jnp.float32),
        ),
        mesh=mesh,
        scratch_types=[
            pltpu.VMEM((SPLIT, BPW), jnp.int32),
            pltpu.VMEM((BPW, L), jnp.int32),
            pltpu.VMEM((NSLOT, L, H2), jnp.float32),
            pltpu.VMEM((BPW, H), jnp.float32),
            pltpu.VMEM((BPW,), jnp.int32),
            pltpu.VMEM((BPW, D), jnp.float32),
        ] + [pltpu.SemaphoreType.DMA] * (1 + 2 * NSLOT),
        compiler_params=pltpu.CompilerParams(use_tc_tiling_on_sc=False,
                                             needs_layout_passes=False),
    )(xt, y, f_pad, g_table)


def _tc_body(sums_ref, gy_ref, y_ref, hW_ref, hb_ref, bW_ref, bb_ref,
             ency_ref, loss_ref):
    i = pl.program_id(0)
    mean_x = sums_ref[...] * (1.0 / L)
    b_x = jnp.tanh(
        lax.dot_general(mean_x, bW_ref[...], (((1,), (1,)), ((), ())),
                        preferred_element_type=jnp.float32) + bb_ref[...])
    enc_y = jnp.tanh(gy_ref[...])
    ae = jnp.tanh(
        lax.dot_general(enc_y, hW_ref[...], (((1,), (1,)), ((), ())),
                        preferred_element_type=jnp.float32) + hb_ref[...])
    m = jnp.max(ae, axis=1, keepdims=True)
    lz = jnp.log(jnp.sum(jnp.exp(ae - m), axis=1, keepdims=True)) + m
    yb = y_ref[...]
    iota_c = lax.broadcasted_iota(jnp.int32, ae.shape, 1)
    pick = jnp.sum(jnp.where(iota_c == yb, ae, 0.0), axis=1, keepdims=True)
    ce_part = jnp.sum(lz - pick)
    mse_part = jnp.sum((b_x - enc_y) ** 2)
    ency_ref[...] = enc_y

    @pl.when(i == 0)
    def _():
        loss_ref[0, 0] = 0.0

    loss_ref[0, 0] += ce_part * (1.0 / B) + mse_part * (1.0 / (B * D))


def _tc_tail(sums, gy, y2d, h_W, h_b2d, b_W, b_b2d):
    blk = 512
    grid = B // blk
    return pl.pallas_call(
        _tc_body,
        grid=(grid,),
        in_specs=[
            pl.BlockSpec((blk, H), lambda i: (i, 0)),
            pl.BlockSpec((blk, D), lambda i: (i, 0)),
            pl.BlockSpec((blk, 1), lambda i: (i, 0)),
            pl.BlockSpec((C, D), lambda i: (0, 0)),
            pl.BlockSpec((1, C), lambda i: (0, 0)),
            pl.BlockSpec((D, H), lambda i: (0, 0)),
            pl.BlockSpec((1, D), lambda i: (0, 0)),
        ],
        out_specs=[
            pl.BlockSpec((blk, D), lambda i: (i, 0)),
            pl.BlockSpec((1, 1), lambda i: (0, 0),
                         memory_space=pltpu.SMEM),
        ],
        out_shape=[
            jax.ShapeDtypeStruct((B, D), jnp.float32),
            jax.ShapeDtypeStruct((1, 1), jnp.float32),
        ],
    )(sums, gy, y2d, h_W, h_b2d, b_W, b_b2d)


def kernel(x, y, f_table, g_table, h_W, h_b, b_W, b_b):
    y32 = y.astype(jnp.int32)
    f_pad = jnp.pad(f_table, ((0, 0), (0, H2 - H)))
    enc_xp, sums, gy = _sc_gather(x.astype(jnp.int32).T, y32,
                                  f_pad, g_table)
    enc_y, loss = _tc_tail(sums, gy, y32.reshape(B, 1), h_W,
                           h_b.reshape(1, C), b_W, b_b.reshape(1, D))
    return (loss[0, 0], enc_xp[:, :, :H], enc_y)

# --- scband reference (transcript-rebuilt; emitter-appended) ---
"""Pipeline reference for scband-embal-78597901516997 (READ-ONLY COPY).

The authoritative reference and input builder live on the scoring server;
editing this copy changes nothing except your own understanding.
"""

import jax, jax.numpy as jnp
import numpy as np

B, L = 4096, 200
V, H = 1000000, 64
C, D = 1000, 32

def setup_inputs(seed: int = 0) -> dict:
    key = jax.random.key(seed)
    ks = jax.random.split(key, 8)
    x = jax.random.randint(ks[0], (B, L), 0, V)
    y = jax.random.randint(ks[1], (B,), 0, C)
    f_table = jax.random.normal(ks[2], (V, H), dtype=jnp.float32)
    g_table = jax.random.normal(ks[3], (C, D), dtype=jnp.float32)
    h_W = jax.random.normal(ks[4], (C, D), dtype=jnp.float32) * 0.05
    h_b = jnp.zeros((C,), dtype=jnp.float32)
    b_W = jax.random.normal(ks[5], (D, H), dtype=jnp.float32) * 0.05
    b_b = jnp.zeros((D,), dtype=jnp.float32)
    return {"x": x, "y": y, "f_table": f_table, "g_table": g_table,
            "h_W": h_W, "h_b": h_b, "b_W": b_W, "b_b": b_b}

def reference(x, y, f_table, g_table, h_W, h_b, b_W, b_b):
    # nn.Embedding lookups; dropout is identity in eval mode
    enc_x = jnp.take(f_table, x, axis=0)            # [B, L, H]
    _x = enc_x.mean(axis=1)                          # [B, H]
    enc_y = jnp.tanh(jnp.take(g_table, y, axis=0))   # [B, D]
    b_x = jnp.tanh(_x @ b_W.T + b_b)                 # [B, D]
    ae_y = jnp.tanh(enc_y @ h_W.T + h_b)             # [B, C]
    # CrossEntropyLoss(ae_y, y)
    logZ = jax.nn.logsumexp(ae_y, axis=-1)
    ll = jnp.take_along_axis(ae_y, y[:, None], axis=1)[:, 0] - logZ
    ce = -jnp.mean(ll)
    # MSELoss(b_x, enc_y.detach())
    mse = jnp.mean((b_x - jax.lax.stop_gradient(enc_y)) ** 2)
    loss = ce + mse
    return (loss, jax.lax.stop_gradient(enc_x), jax.lax.stop_gradient(enc_y))

if __name__ == "__main__":
    import jax
    _d = setup_inputs()
    print(jax.jit(kernel)(*tuple(_d.values())))

</pallas_src>

<mosaic_0001>
#map = affine_map<(d0, d1) -> (0, 0)>
#map1 = affine_map<(d0, d1) -> (0)>
#map2 = affine_map<(d0, d1) -> (0, 0, 0)>
module attributes {stable_mosaic.version = 14 : i64} {
  func.func @_sc_body(%arg0: i32, %arg1: i32, %arg2: memref<200x4096xi32, #tpu.memory_space<hbm>>, %arg3: memref<4096xi32, #tpu.memory_space<hbm>>, %arg4: memref<1000000x128xf32, #tpu.memory_space<hbm>>, %arg5: memref<1000x32xf32, #tpu.memory_space<hbm>>, %arg6: memref<4096x200x128xf32, #tpu.memory_space<hbm>>, %arg7: memref<4096x64xf32, #tpu.memory_space<hbm>>, %arg8: memref<4096x32xf32, #tpu.memory_space<hbm>>, %arg9: memref<104x128xi32, #tpu.memory_space<vmem>>, %arg10: memref<128x200xi32, #tpu.memory_space<vmem>>, %arg11: memref<3x200x128xf32, #tpu.memory_space<vmem>>, %arg12: memref<128x64xf32, #tpu.memory_space<vmem>>, %arg13: memref<128xi32, #tpu.memory_space<vmem>>, %arg14: memref<128x32xf32, #tpu.memory_space<vmem>>, %arg15: memref<!tpu.dma_semaphore, #tpu.memory_space<semaphore_mem>>, %arg16: memref<!tpu.dma_semaphore, #tpu.memory_space<semaphore_mem>>, %arg17: memref<!tpu.dma_semaphore, #tpu.memory_space<semaphore_mem>>, %arg18: memref<!tpu.dma_semaphore, #tpu.memory_space<semaphore_mem>>, %arg19: memref<!tpu.dma_semaphore, #tpu.memory_space<semaphore_mem>>, %arg20: memref<!tpu.dma_semaphore, #tpu.memory_space<semaphore_mem>>, %arg21: memref<!tpu.dma_semaphore, #tpu.memory_space<semaphore_mem>>) attributes {dimension_semantics = [#tpu.dimension_semantics<core_parallel>, #tpu.dimension_semantics<subcore_parallel>], iteration_bounds = array<i64: 2, 16>, scalar_prefetch = 0 : i64, scratch_operands = 13 : i64, tpu.core_type = #tpu.core_type<sc_vector_subcore>, window_params = [{transform_indices = #map}, {transform_indices = #map1}, {transform_indices = #map}, {transform_indices = #map}, {transform_indices = #map2}, {transform_indices = #map}, {transform_indices = #map}]} {
    %mul3A = arith.constant 2 : i32
    %mul3A_0 = arith.muli %arg1, %mul3A : i32
    %add3A = arith.addi %mul3A_0, %arg0 : i32
    %mul3A_1 = arith.constant 128 : i32
    %mul3A_2 = arith.muli %add3A, %mul3A_1 : i32
    "tpu.region"() ({
      %run_scoped3A = tpu.sem_alloc : memref<!tpu.dma_semaphore, #tpu.memory_space<semaphore_mem>>
      %dma_start3A_258 = tpu.memref_slice %arg3[%mul3A_2] : memref<4096xi32, #tpu.memory_space<hbm>> -> memref<128xi32, #tpu.memory_space<hbm>>
      %dma_start3A_259 = tpu.memref_slice %arg3[%mul3A_2] : memref<4096xi32, #tpu.memory_space<hbm>> -> memref<128xi32, #tpu.memory_space<hbm>>
      tpu.enqueue_dma source(%dma_start3A_259 : memref<128xi32, #tpu.memory_space<hbm>>) target(%arg13 : memref<128xi32, #tpu.memory_space<vmem>>) target_semaphore(%run_scoped3A : memref<!tpu.dma_semaphore, #tpu.memory_space<semaphore_mem>>)
      %dma_wait3A_260 = tpu.memref_slice %arg3[%mul3A_2] : memref<4096xi32, #tpu.memory_space<hbm>> -> memref<128xi32, #tpu.memory_space<hbm>>
      %dma_wait3A_261 = tpu.memref_slice %arg3[%mul3A_2] : memref<4096xi32, #tpu.memory_space<hbm>> -> memref<128xi32, #tpu.memory_space<hbm>>
      tpu.wait_dma2 semaphore(%run_scoped3A : memref<!tpu.dma_semaphore, #tpu.memory_space<semaphore_mem>>) src(%dma_wait3A_261 : memref<128xi32, #tpu.memory_space<hbm>>) dst(%arg13 : memref<128xi32, #tpu.memory_space<vmem>>)
      tpu.yield
    }) : () -> ()
    %dma_start3A = arith.constant 0 : i32
    %dma_start3A_3 = arith.constant 0 : i32
    %dma_start3A_4 = tpu.memref_slice %arg5[%dma_start3A, %dma_start3A_3] : memref<1000x32xf32, #tpu.memory_space<hbm>> -> memref<1000x32xf32, #tpu.memory_space<hbm>>
    tpu.enqueue_indirect_dma source(%dma_start3A_4 : memref<1000x32xf32, #tpu.memory_space<hbm>>) target(%arg14 : memref<128x32xf32, #tpu.memory_space<vmem>>) offsets(%arg13 : memref<128xi32, #tpu.memory_space<vmem>>) semaphore(%arg15 : memref<!tpu.dma_semaphore, #tpu.memory_space<semaphore_mem>>)
    %dma_wait3A = arith.constant 0 : i32
    %dma_wait3A_5 = arith.constant 0 : i32
    %dma_wait3A_6 = tpu.memref_slice %arg5[%dma_wait3A, %dma_wait3A_5] : memref<1000x32xf32, #tpu.memory_space<hbm>> -> memref<1000x32xf32, #tpu.memory_space<hbm>>
    tpu.wait_indirect_dma semaphore(%arg15 : memref<!tpu.dma_semaphore, #tpu.memory_space<semaphore_mem>>) src(%dma_wait3A_6 : memref<1000x32xf32, #tpu.memory_space<hbm>>) dst(%arg14 : memref<128x32xf32, #tpu.memory_space<vmem>>)
    "tpu.region"() ({
      %run_scoped3A = tpu.sem_alloc : memref<!tpu.dma_semaphore, #tpu.memory_space<semaphore_mem>>
      %dma_start3A_258 = arith.constant 0 : i32
      %dma_start3A_259 = tpu.memref_slice %arg8[%mul3A_2, %dma_start3A_258] : memref<4096x32xf32, #tpu.memory_space<hbm>> -> memref<128x32xf32, #tpu.memory_space<hbm>>
      %dma_start3A_260 = arith.constant 0 : i32
      %dma_start3A_261 = tpu.memref_slice %arg8[%mul3A_2, %dma_start3A_260] : memref<4096x32xf32, #tpu.memory_space<hbm>> -> memref<128x32xf32, #tpu.memory_space<hbm>>
      tpu.enqueue_dma source(%arg14 : memref<128x32xf32, #tpu.memory_space<vmem>>) target(%dma_start3A_261 : memref<128x32xf32, #tpu.memory_space<hbm>>) target_semaphore(%run_scoped3A : memref<!tpu.dma_semaphore, #tpu.memory_space<semaphore_mem>>)
      %dma_wait3A_262 = arith.constant 0 : i32
      %dma_wait3A_263 = tpu.memref_slice %arg8[%mul3A_2, %dma_wait3A_262] : memref<4096x32xf32, #tpu.memory_space<hbm>> -> memref<128x32xf32, #tpu.memory_space<hbm>>
      %dma_wait3A_264 = arith.constant 0 : i32
      %dma_wait3A_265 = tpu.memref_slice %arg8[%mul3A_2, %dma_wait3A_264] : memref<4096x32xf32, #tpu.memory_space<hbm>> -> memref<128x32xf32, #tpu.memory_space<hbm>>
      tpu.wait_dma2 semaphore(%run_scoped3A : memref<!tpu.dma_semaphore, #tpu.memory_space<semaphore_mem>>) src(%arg14 : memref<128x32xf32, #tpu.memory_space<vmem>>) dst(%dma_wait3A_265 : memref<128x32xf32, #tpu.memory_space<hbm>>)
      tpu.yield
    }) : () -> ()
    %iota3A = tpu.iota {dimensions = array<i32: 0>} : vector<16xi32>
    "tpu.region"() ({
      %run_scoped3A = tpu.sem_alloc : memref<!tpu.dma_semaphore, #tpu.memory_space<semaphore_mem>>
      %dma_start3A_258 = arith.constant 0 : i32
      %dma_start3A_259 = arith.constant 0 : i32
      %dma_start3A_260 = tpu.memref_slice %arg9[%dma_start3A_258, %dma_start3A_259] : memref<104x128xi32, #tpu.memory_space<vmem>> -> memref<104x128xi32, #tpu.memory_space<vmem>>
      %dma_start3A_261 = arith.constant 0 : i32
      %dma_start3A_262 = tpu.memref_slice %arg2[%dma_start3A_261, %mul3A_2] : memref<200x4096xi32, #tpu.memory_space<hbm>> -> memref<104x128xi32, #tpu.memory_space<hbm>>
      %dma_start3A_263 = arith.constant 0 : i32
      %dma_start3A_264 = arith.constant 0 : i32
      %dma_start3A_265 = tpu.memref_slice %arg9[%dma_start3A_263, %dma_start3A_264] : memref<104x128xi32, #tpu.memory_space<vmem>> -> memref<104x128xi32, #tpu.memory_space<vmem>>
      %dma_start3A_266 = arith.constant 0 : i32
      %dma_start3A_267 = tpu.memref_slice %arg2[%dma_start3A_266, %mul3A_2] : memref<200x4096xi32, #tpu.memory_space<hbm>> -> memref<104x128xi32, #tpu.memory_space<hbm>>
      tpu.enqueue_dma source(%dma_start3A_267 : memref<104x128xi32, #tpu.memory_space<hbm>>) target(%dma_start3A_265 : memref<104x128xi32, #tpu.memory_space<vmem>>) target_semaphore(%run_scoped3A : memref<!tpu.dma_semaphore, #tpu.memory_space<semaphore_mem>>)
      %dma_wait3A_268 = arith.constant 0 : i32
      %dma_wait3A_269 = arith.constant 0 : i32
      %dma_wait3A_270 = tpu.memref_slice %arg9[%dma_wait3A_268, %dma_wait3A_269] : memref<104x128xi32, #tpu.memory_space<vmem>> -> memref<104x128xi32, #tpu.memory_space<vmem>>
      %dma_wait3A_271 = arith.constant 0 : i32
      %dma_wait3A_272 = tpu.memref_slice %arg2[%dma_wait3A_271, %mul3A_2] : memref<200x4096xi32, #tpu.memory_space<hbm>> -> memref<104x128xi32, #tpu.memory_space<hbm>>
      %dma_wait3A_273 = arith.constant 0 : i32
      %dma_wait3A_274 = arith.constant 0 : i32
      %dma_wait3A_275 = tpu.memref_slice %arg9[%dma_wait3A_273, %dma_wait3A_274] : memref<104x128xi32, #tpu.memory_space<vmem>> -> memref<104x128xi32, #tpu.memory_space<vmem>>
      %dma_wait3A_276 = arith.constant 0 : i32
      %dma_wait3A_277 = tpu.memref_slice %arg2[%dma_wait3A_276, %mul3A_2] : memref<200x4096xi32, #tpu.memory_space<hbm>> -> memref<104x128xi32, #tpu.memory_space<hbm>>
      tpu.wait_dma2 semaphore(%run_scoped3A : memref<!tpu.dma_semaphore, #tpu.memory_space<semaphore_mem>>) src(%dma_wait3A_277 : memref<104x128xi32, #tpu.memory_space<hbm>>) dst(%dma_wait3A_275 : memref<104x128xi32, #tpu.memory_space<vmem>>)
      tpu.yield
    }) : () -> ()
    %scan3A = arith.constant 0 : i32
    %scan3A_7 = arith.constant 0 : i32
    %scan3A_8 = arith.constant 128 : i32
    %scan3A_9 = arith.addi %scan3A_7, %scan3A_8 : i32
    %scan3A_10 = arith.constant 1 : i32
    scf.for %scan3A_258 = %scan3A_7 to %scan3A_9 step %scan3A_10  : i32 {
      %broadcast_in_dim3A_259 = arith.constant 0 : i32
      %broadcast_in_dim3A_260 = vector.broadcast %broadcast_in_dim3A_259 : i32 to vector<16xi32>
      %add3A_261 = vector.broadcast %scan3A_258 : i32 to vector<16xi32>
      %add3A_262 = arith.addi %broadcast_in_dim3A_260, %add3A_261 : vector<16xi32>
      %add3A_263 = arith.constant 0 : i32
      %add3A_264 = vector.broadcast %add3A_263 : i32 to vector<16xi32>
      %add3A_265 = arith.addi %iota3A, %add3A_264 : vector<16xi32>
      %gather3A = tpu.vector_load_idx %arg9[%add3A_265, %add3A_262] : memref<104x128xi32, #tpu.memory_space<vmem>>[vector<16xi32>, vector<16xi32>], vector<16xi32>,
      %swap3A_266 = arith.index_cast %scan3A_258 : i32 to index
      %swap3A_267 = arith.constant 0 : index
      %swap3A_268 = tpu.vector_load %arg10[%swap3A_266, %swap3A_267] {strides = array<i32>} : memref<128x200xi32, #tpu.memory_space<vmem>>, vector<16xi32>,
      tpu.vector_store %arg10[%swap3A_266, %swap3A_267], %gather3A {strides = array<i32>} : memref<128x200xi32, #tpu.memory_space<vmem>>, vector<16xi32>,
      %add3A_269 = arith.constant 16 : i32
      %add3A_270 = vector.broadcast %add3A_269 : i32 to vector<16xi32>
      %add3A_271 = arith.addi %iota3A, %add3A_270 : vector<16xi32>
      %gather3A_272 = tpu.vector_load_idx %arg9[%add3A_271, %add3A_262] : memref<104x128xi32, #tpu.memory_space<vmem>>[vector<16xi32>, vector<16xi32>], vector<16xi32>,
      %swap3A_273 = arith.index_cast %scan3A_258 : i32 to index
      %swap3A_274 = arith.constant 16 : index
      %swap3A_275 = tpu.vector_load %arg10[%swap3A_273, %swap3A_274] {strides = array<i32>} : memref<128x200xi32, #tpu.memory_space<vmem>>, vector<16xi32>,
      tpu.vector_store %arg10[%swap3A_273, %swap3A_274], %gather3A_272 {strides = array<i32>} : memref<128x200xi32, #tpu.memory_space<vmem>>, vector<16xi32>,
      %add3A_276 = arith.constant 32 : i32
      %add3A_277 = vector.broadcast %add3A_276 : i32 to vector<16xi32>
      %add3A_278 = arith.addi %iota3A, %add3A_277 : vector<16xi32>
      %gather3A_279 = tpu.vector_load_idx %arg9[%add3A_278, %add3A_262] : memref<104x128xi32, #tpu.memory_space<vmem>>[vector<16xi32>, vector<16xi32>], vector<16xi32>,
      %swap3A_280 = arith.index_cast %scan3A_258 : i32 to index
      %swap3A_281 = arith.constant 32 : index
      %swap3A_282 = tpu.vector_load %arg10[%swap3A_280, %swap3A_281] {strides = array<i32>} : memref<128x200xi32, #tpu.memory_space<vmem>>, vector<16xi32>,
      tpu.vector_store %arg10[%swap3A_280, %swap3A_281], %gather3A_279 {strides = array<i32>} : memref<128x200xi32, #tpu.memory_space<vmem>>, vector<16xi32>,
      %add3A_283 = arith.constant 48 : i32
      %add3A_284 = vector.broadcast %add3A_283 : i32 to vector<16xi32>
      %add3A_285 = arith.addi %iota3A, %add3A_284 : vector<16xi32>
      %gather3A_286 = tpu.vector_load_idx %arg9[%add3A_285, %add3A_262] : memref<104x128xi32, #tpu.memory_space<vmem>>[vector<16xi32>, vector<16xi32>], vector<16xi32>,
      %swap3A_287 = arith.index_cast %scan3A_258 : i32 to index
      %swap3A_288 = arith.constant 48 : index
      %swap3A_289 = tpu.vector_load %arg10[%swap3A_287, %swap3A_288] {strides = array<i32>} : memref<128x200xi32, #tpu.memory_space<vmem>>, vector<16xi32>,
      tpu.vector_store %arg10[%swap3A_287, %swap3A_288], %gather3A_286 {strides = array<i32>} : memref<128x200xi32, #tpu.memory_space<vmem>>, vector<16xi32>,
      %add3A_290 = arith.constant 64 : i32
      %add3A_291 = vector.broadcast %add3A_290 : i32 to vector<16xi32>
      %add3A_292 = arith.addi %iota3A, %add3A_291 : vector<16xi32>
      %gather3A_293 = tpu.vector_load_idx %arg9[%add3A_292, %add3A_262] : memref<104x128xi32, #tpu.memory_space<vmem>>[vector<16xi32>, vector<16xi32>], vector<16xi32>,
      %swap3A_294 = arith.index_cast %scan3A_258 : i32 to index
      %swap3A_295 = arith.constant 64 : index
      %swap3A_296 = tpu.vector_load %arg10[%swap3A_294, %swap3A_295] {strides = array<i32>} : memref<128x200xi32, #tpu.memory_space<vmem>>, vector<16xi32>,
      tpu.vector_store %arg10[%swap3A_294, %swap3A_295], %gather3A_293 {strides = array<i32>} : memref<128x200xi32, #tpu.memory_space<vmem>>, vector<16xi32>,
      %add3A_297 = arith.constant 80 : i32
      %add3A_298 = vector.broadcast %add3A_297 : i32 to vector<16xi32>
      %add3A_299 = arith.addi %iota3A, %add3A_298 : vector<16xi32>
      %gather3A_300 = tpu.vector_load_idx %arg9[%add3A_299, %add3A_262] : memref<104x128xi32, #tpu.memory_space<vmem>>[vector<16xi32>, vector<16xi32>], vector<16xi32>,
      %swap3A_301 = arith.index_cast %scan3A_258 : i32 to index
      %swap3A_302 = arith.constant 80 : index
      %swap3A_303 = tpu.vector_load %arg10[%swap3A_301, %swap3A_302] {strides = array<i32>} : memref<128x200xi32, #tpu.memory_space<vmem>>, vector<16xi32>,
      tpu.vector_store %arg10[%swap3A_301, %swap3A_302], %gather3A_300 {strides = array<i32>} : memref<128x200xi32, #tpu.memory_space<vmem>>, vector<16xi32>,
      %add3A_304 = arith.constant 88 : i32
      %add3A_305 = vector.broadcast %add3A_304 : i32 to vector<16xi32>
      %add3A_306 = arith.addi %iota3A, %add3A_305 : vector<16xi32>
      %gather3A_307 = tpu.vector_load_idx %arg9[%add3A_306, %add3A_262] : memref<104x128xi32, #tpu.memory_space<vmem>>[vector<16xi32>, vector<16xi32>], vector<16xi32>,
      %swap3A_308 = arith.index_cast %scan3A_258 : i32 to index
      %swap3A_309 = arith.constant 88 : index
      %swap3A_310 = tpu.vector_load %arg10[%swap3A_308, %swap3A_309] {strides = array<i32>} : memref<128x200xi32, #tpu.memory_space<vmem>>, vector<16xi32>,
      tpu.vector_store %arg10[%swap3A_308, %swap3A_309], %gather3A_307 {strides = array<i32>} : memref<128x200xi32, #tpu.memory_space<vmem>>, vector<16xi32>,
    }
    %scan3A_11 = arith.constant 128 : i32
    "tpu.region"() ({
      %run_scoped3A = tpu.sem_alloc : memref<!tpu.dma_semaphore, #tpu.memory_space<semaphore_mem>>
      %dma_start3A_258 = arith.constant 0 : i32
      %dma_start3A_259 = arith.constant 0 : i32
      %dma_start3A_260 = tpu.memref_slice %arg9[%dma_start3A_258, %dma_start3A_259] : memref<104x128xi32, #tpu.memory_space<vmem>> -> memref<96x128xi32, #tpu.memory_space<vmem>>
      %dma_start3A_261 = arith.constant 104 : i32
      %dma_start3A_262 = tpu.memref_slice %arg2[%dma_start3A_261, %mul3A_2] : memref<200x4096xi32, #tpu.memory_space<hbm>> -> memref<96x128xi32, #tpu.memory_space<hbm>>
      %dma_start3A_263 = arith.constant 0 : i32
      %dma_start3A_264 = arith.constant 0 : i32
      %dma_start3A_265 = tpu.memref_slice %arg9[%dma_start3A_263, %dma_start3A_264] : memref<104x128xi32, #tpu.memory_space<vmem>> -> memref<96x128xi32, #tpu.memory_space<vmem>>
      %dma_start3A_266 = arith.constant 104 : i32
      %dma_start3A_267 = tpu.memref_slice %arg2[%dma_start3A_266, %mul3A_2] : memref<200x4096xi32, #tpu.memory_space<hbm>> -> memref<96x128xi32, #tpu.memory_space<hbm>>
      tpu.enqueue_dma source(%dma_start3A_267 : memref<96x128xi32, #tpu.memory_space<hbm>>) target(%dma_start3A_265 : memref<96x128xi32, #tpu.memory_space<vmem>>) target_semaphore(%run_scoped3A : memref<!tpu.dma_semaphore, #tpu.memory_space<semaphore_mem>>)
      %dma_wait3A_268 = arith.constant 0 : i32
      %dma_wait3A_269 = arith.constant 0 : i32
      %dma_wait3A_270 = tpu.memref_slice %arg9[%dma_wait3A_268, %dma_wait3A_269] : memref<104x128xi32, #tpu.memory_space<vmem>> -> memref<96x128xi32, #tpu.memory_space<vmem>>
      %dma_wait3A_271 = arith.constant 104 : i32
      %dma_wait3A_272 = tpu.memref_slice %arg2[%dma_wait3A_271, %mul3A_2] : memref<200x4096xi32, #tpu.memory_space<hbm>> -> memref<96x128xi32, #tpu.memory_space<hbm>>
      %dma_wait3A_273 = arith.constant 0 : i32
      %dma_wait3A_274 = arith.constant 0 : i32
      %dma_wait3A_275 = tpu.memref_slice %arg9[%dma_wait3A_273, %dma_wait3A_274] : memref<104x128xi32, #tpu.memory_space<vmem>> -> memref<96x128xi32, #tpu.memory_space<vmem>>
      %dma_wait3A_276 = arith.constant 104 : i32
      %dma_wait3A_277 = tpu.memref_slice %arg2[%dma_wait3A_276, %mul3A_2] : memref<200x4096xi32, #tpu.memory_space<hbm>> -> memref<96x128xi32, #tpu.memory_space<hbm>>
      tpu.wait_dma2 semaphore(%run_scoped3A : memref<!tpu.dma_semaphore, #tpu.memory_space<semaphore_mem>>) src(%dma_wait3A_277 : memref<96x128xi32, #tpu.memory_space<hbm>>) dst(%dma_wait3A_275 : memref<96x128xi32, #tpu.memory_space<vmem>>)
      tpu.yield
    }) : () -> ()
    %scan3A_12 = arith.constant 0 : i32
    %scan3A_13 = arith.constant 0 : i32
    %scan3A_14 = arith.constant 128 : i32
    %scan3A_15 = arith.addi %scan3A_13, %scan3A_14 : i32
    %scan3A_16 = arith.constant 1 : i32
    scf.for %scan3A_258 = %scan3A_13 to %scan3A_15 step %scan3A_16  : i32 {
      %broadcast_in_dim3A_259 = arith.constant 0 : i32
      %broadcast_in_dim3A_260 = vector.broadcast %broadcast_in_dim3A_259 : i32 to vector<16xi32>
      %add3A_261 = vector.broadcast %scan3A_258 : i32 to vector<16xi32>
      %add3A_262 = arith.addi %broadcast_in_dim3A_260, %add3A_261 : vector<16xi32>
      %add3A_263 = arith.constant 0 : i32
      %add3A_264 = vector.broadcast %add3A_263 : i32 to vector<16xi32>
      %add3A_265 = arith.addi %iota3A, %add3A_264 : vector<16xi32>
      %gather3A = tpu.vector_load_idx %arg9[%add3A_265, %add3A_262] : memref<104x128xi32, #tpu.memory_space<vmem>>[vector<16xi32>, vector<16xi32>], vector<16xi32>,
      %swap3A_266 = arith.index_cast %scan3A_258 : i32 to index
      %swap3A_267 = arith.constant 104 : index
      %swap3A_268 = tpu.vector_load %arg10[%swap3A_266, %swap3A_267] {strides = array<i32>} : memref<128x200xi32, #tpu.memory_space<vmem>>, vector<16xi32>,
      tpu.vector_store %arg10[%swap3A_266, %swap3A_267], %gather3A {strides = array<i32>} : memref<128x200xi32, #tpu.memory_space<vmem>>, vector<16xi32>,
      %add3A_269 = arith.constant 16 : i32
      %add3A_270 = vector.broadcast %add3A_269 : i32 to vector<16xi32>
      %add3A_271 = arith.addi %iota3A, %add3A_270 : vector<16xi32>
      %gather3A_272 = tpu.vector_load_idx %arg9[%add3A_271, %add3A_262] : memref<104x128xi32, #tpu.memory_space<vmem>>[vector<16xi32>, vector<16xi32>], vector<16xi32>,
      %swap3A_273 = arith.index_cast %scan3A_258 : i32 to index
      %swap3A_274 = arith.constant 120 : index
      %swap3A_275 = tpu.vector_load %arg10[%swap3A_273, %swap3A_274] {strides = array<i32>} : memref<128x200xi32, #tpu.memory_space<vmem>>, vector<16xi32>,
      tpu.vector_store %arg10[%swap3A_273, %swap3A_274], %gather3A_272 {strides = array<i32>} : memref<128x200xi32, #tpu.memory_space<vmem>>, vector<16xi32>,
      %add3A_276 = arith.constant 32 : i32
      %add3A_277 = vector.broadcast %add3A_276 : i32 to vector<16xi32>
      %add3A_278 = arith.addi %iota3A, %add3A_277 : vector<16xi32>
      %gather3A_279 = tpu.vector_load_idx %arg9[%add3A_278, %add3A_262] : memref<104x128xi32, #tpu.memory_space<vmem>>[vector<16xi32>, vector<16xi32>], vector<16xi32>,
      %swap3A_280 = arith.index_cast %scan3A_258 : i32 to index
      %swap3A_281 = arith.constant 136 : index
      %swap3A_282 = tpu.vector_load %arg10[%swap3A_280, %swap3A_281] {strides = array<i32>} : memref<128x200xi32, #tpu.memory_space<vmem>>, vector<16xi32>,
      tpu.vector_store %arg10[%swap3A_280, %swap3A_281], %gather3A_279 {strides = array<i32>} : memref<128x200xi32, #tpu.memory_space<vmem>>, vector<16xi32>,
      %add3A_283 = arith.constant 48 : i32
      %add3A_284 = vector.broadcast %add3A_283 : i32 to vector<16xi32>
      %add3A_285 = arith.addi %iota3A, %add3A_284 : vector<16xi32>
      %gather3A_286 = tpu.vector_load_idx %arg9[%add3A_285, %add3A_262] : memref<104x128xi32, #tpu.memory_space<vmem>>[vector<16xi32>, vector<16xi32>], vector<16xi32>,
      %swap3A_287 = arith.index_cast %scan3A_258 : i32 to index
      %swap3A_288 = arith.constant 152 : index
      %swap3A_289 = tpu.vector_load %arg10[%swap3A_287, %swap3A_288] {strides = array<i32>} : memref<128x200xi32, #tpu.memory_space<vmem>>, vector<16xi32>,
      tpu.vector_store %arg10[%swap3A_287, %swap3A_288], %gather3A_286 {strides = array<i32>} : memref<128x200xi32, #tpu.memory_space<vmem>>, vector<16xi32>,
      %add3A_290 = arith.constant 64 : i32
      %add3A_291 = vector.broadcast %add3A_290 : i32 to vector<16xi32>
      %add3A_292 = arith.addi %iota3A, %add3A_291 : vector<16xi32>
      %gather3A_293 = tpu.vector_load_idx %arg9[%add3A_292, %add3A_262] : memref<104x128xi32, #tpu.memory_space<vmem>>[vector<16xi32>, vector<16xi32>], vector<16xi32>,
      %swap3A_294 = arith.index_cast %scan3A_258 : i32 to index
      %swap3A_295 = arith.constant 168 : index
      %swap3A_296 = tpu.vector_load %arg10[%swap3A_294, %swap3A_295] {strides = array<i32>} : memref<128x200xi32, #tpu.memory_space<vmem>>, vector<16xi32>,
      tpu.vector_store %arg10[%swap3A_294, %swap3A_295], %gather3A_293 {strides = array<i32>} : memref<128x200xi32, #tpu.memory_space<vmem>>, vector<16xi32>,
      %add3A_297 = arith.constant 80 : i32
      %add3A_298 = vector.broadcast %add3A_297 : i32 to vector<16xi32>
      %add3A_299 = arith.addi %iota3A, %add3A_298 : vector<16xi32>
      %gather3A_300 = tpu.vector_load_idx %arg9[%add3A_299, %add3A_262] : memref<104x128xi32, #tpu.memory_space<vmem>>[vector<16xi32>, vector<16xi32>], vector<16xi32>,
      %swap3A_301 = arith.index_cast %scan3A_258 : i32 to index
      %swap3A_302 = arith.constant 184 : index
      %swap3A_303 = tpu.vector_load %arg10[%swap3A_301, %swap3A_302] {strides = array<i32>} : memref<128x200xi32, #tpu.memory_space<vmem>>, vector<16xi32>,
      tpu.vector_store %arg10[%swap3A_301, %swap3A_302], %gather3A_300 {strides = array<i32>} : memref<128x200xi32, #tpu.memory_space<vmem>>, vector<16xi32>,
    }
    %scan3A_17 = arith.constant 128 : i32
    %dma_start3A_18 = arith.constant 0 : i32
    %dma_start3A_19 = arith.constant 0 : i32
    %dma_start3A_20 = arith.constant 0 : i32
    %dma_start3A_21 = arith.constant 0 : i32
    %dma_start3A_22 = tpu.memref_slice %arg11[%dma_start3A_19, %dma_start3A_20, %dma_start3A_21] : memref<3x200x128xf32, #tpu.memory_space<vmem>> -> memref<1x104x128xf32, #tpu.memory_space<vmem>>
    %dma_start3A_23 = tpu.memref_squeeze %dma_start3A_22 : memref<1x104x128xf32, #tpu.memory_space<vmem>> -> memref<104x128xf32, #tpu.memory_space<vmem>>
    %dma_start3A_24 = arith.constant 0 : i32
    %dma_start3A_25 = tpu.memref_slice %arg10[%dma_start3A_18, %dma_start3A_24] : memref<128x200xi32, #tpu.memory_space<vmem>> -> memref<1x104xi32, #tpu.memory_space<vmem>>
    %dma_start3A_26 = tpu.memref_squeeze %dma_start3A_25 : memref<1x104xi32, #tpu.memory_space<vmem>> -> memref<104xi32, #tpu.memory_space<vmem>>
    %dma_start3A_27 = arith.constant 0 : i32
    %dma_start3A_28 = arith.constant 0 : i32
    %dma_start3A_29 = tpu.memref_slice %arg4[%dma_start3A_27, %dma_start3A_28] : memref<1000000x128xf32, #tpu.memory_space<hbm>> -> memref<1000000x128xf32, #tpu.memory_space<hbm>>
    tpu.enqueue_indirect_dma source(%dma_start3A_29 : memref<1000000x128xf32, #tpu.memory_space<hbm>>) target(%dma_start3A_23 : memref<104x128xf32, #tpu.memory_space<vmem>>) offsets(%dma_start3A_26 : memref<104xi32, #tpu.memory_space<vmem>>) semaphore(%arg16 : memref<!tpu.dma_semaphore, #tpu.memory_space<semaphore_mem>>)
    %dma_start3A_30 = arith.constant 0 : i32
    %dma_start3A_31 = arith.constant 0 : i32
    %dma_start3A_32 = arith.constant 104 : i32
    %dma_start3A_33 = arith.constant 0 : i32
    %dma_start3A_34 = tpu.memref_slice %arg11[%dma_start3A_31, %dma_start3A_32, %dma_start3A_33] : memref<3x200x128xf32, #tpu.memory_space<vmem>> -> memref<1x96x128xf32, #tpu.memory_space<vmem>>
    %dma_start3A_35 = tpu.memref_squeeze %dma_start3A_34 : memref<1x96x128xf32, #tpu.memory_space<vmem>> -> memref<96x128xf32, #tpu.memory_space<vmem>>
    %dma_start3A_36 = arith.constant 104 : i32
    %dma_start3A_37 = tpu.memref_slice %arg10[%dma_start3A_30, %dma_start3A_36] : memref<128x200xi32, #tpu.memory_space<vmem>> -> memref<1x96xi32, #tpu.memory_space<vmem>>
    %dma_start3A_38 = tpu.memref_squeeze %dma_start3A_37 : memref<1x96xi32, #tpu.memory_space<vmem>> -> memref<96xi32, #tpu.memory_space<vmem>>
    %dma_start3A_39 = arith.constant 0 : i32
    %dma_start3A_40 = arith.constant 0 : i32
    %dma_start3A_41 = tpu.memref_slice %arg4[%dma_start3A_39, %dma_start3A_40] : memref<1000000x128xf32, #tpu.memory_space<hbm>> -> memref<1000000x128xf32, #tpu.memory_space<hbm>>
    tpu.enqueue_indirect_dma source(%dma_start3A_41 : memref<1000000x128xf32, #tpu.memory_space<hbm>>) target(%dma_start3A_35 : memref<96x128xf32, #tpu.memory_space<vmem>>) offsets(%dma_start3A_38 : memref<96xi32, #tpu.memory_space<vmem>>) semaphore(%arg16 : memref<!tpu.dma_semaphore, #tpu.memory_space<semaphore_mem>>)
    %dma_start3A_42 = arith.constant 1 : i32
    %dma_start3A_43 = arith.constant 1 : i32
    %dma_start3A_44 = arith.constant 0 : i32
    %dma_start3A_45 = arith.constant 0 : i32
    %dma_start3A_46 = tpu.memref_slice %arg11[%dma_start3A_43, %dma_start3A_44, %dma_start3A_45] : memref<3x200x128xf32, #tpu.memory_space<vmem>> -> memref<1x104x128xf32, #tpu.memory_space<vmem>>
    %dma_start3A_47 = tpu.memref_squeeze %dma_start3A_46 : memref<1x104x128xf32, #tpu.memory_space<vmem>> -> memref<104x128xf32, #tpu.memory_space<vmem>>
    %dma_start3A_48 = arith.constant 0 : i32
    %dma_start3A_49 = tpu.memref_slice %arg10[%dma_start3A_42, %dma_start3A_48] : memref<128x200xi32, #tpu.memory_space<vmem>> -> memref<1x104xi32, #tpu.memory_space<vmem>>
    %dma_start3A_50 = tpu.memref_squeeze %dma_start3A_49 : memref<1x104xi32, #tpu.memory_space<vmem>> -> memref<104xi32, #tpu.memory_space<vmem>>
    %dma_start3A_51 = arith.constant 0 : i32
    %dma_start3A_52 = arith.constant 0 : i32
    %dma_start3A_53 = tpu.memref_slice %arg4[%dma_start3A_51, %dma_start3A_52] : memref<1000000x128xf32, #tpu.memory_space<hbm>> -> memref<1000000x128xf32, #tpu.memory_space<hbm>>
    tpu.enqueue_indirect_dma source(%dma_start3A_53 : memref<1000000x128xf32, #tpu.memory_space<hbm>>) target(%dma_start3A_47 : memref<104x128xf32, #tpu.memory_space<vmem>>) offsets(%dma_start3A_50 : memref<104xi32, #tpu.memory_space<vmem>>) semaphore(%arg17 : memref<!tpu.dma_semaphore, #tpu.memory_space<semaphore_mem>>)
    %dma_start3A_54 = arith.constant 1 : i32
    %dma_start3A_55 = arith.constant 1 : i32
    %dma_start3A_56 = arith.constant 104 : i32
    %dma_start3A_57 = arith.constant 0 : i32
    %dma_start3A_58 = tpu.memref_slice %arg11[%dma_start3A_55, %dma_start3A_56, %dma_start3A_57] : memref<3x200x128xf32, #tpu.memory_space<vmem>> -> memref<1x96x128xf32, #tpu.memory_space<vmem>>
    %dma_start3A_59 = tpu.memref_squeeze %dma_start3A_58 : memref<1x96x128xf32, #tpu.memory_space<vmem>> -> memref<96x128xf32, #tpu.memory_space<vmem>>
    %dma_start3A_60 = arith.constant 104 : i32
    %dma_start3A_61 = tpu.memref_slice %arg10[%dma_start3A_54, %dma_start3A_60] : memref<128x200xi32, #tpu.memory_space<vmem>> -> memref<1x96xi32, #tpu.memory_space<vmem>>
    %dma_start3A_62 = tpu.memref_squeeze %dma_start3A_61 : memref<1x96xi32, #tpu.memory_space<vmem>> -> memref<96xi32, #tpu.memory_space<vmem>>
    %dma_start3A_63 = arith.constant 0 : i32
    %dma_start3A_64 = arith.constant 0 : i32
    %dma_start3A_65 = tpu.memref_slice %arg4[%dma_start3A_63, %dma_start3A_64] : memref<1000000x128xf32, #tpu.memory_space<hbm>> -> memref<1000000x128xf32, #tpu.memory_space<hbm>>
    tpu.enqueue_indirect_dma source(%dma_start3A_65 : memref<1000000x128xf32, #tpu.memory_space<hbm>>) target(%dma_start3A_59 : memref<96x128xf32, #tpu.memory_space<vmem>>) offsets(%dma_start3A_62 : memref<96xi32, #tpu.memory_space<vmem>>) semaphore(%arg17 : memref<!tpu.dma_semaphore, #tpu.memory_space<semaphore_mem>>)
    %scan3A_66 = arith.constant 0 : i32
    %scan3A_67 = arith.constant 0 : i32
    %scan3A_68 = arith.constant 42 : i32
    %scan3A_69 = arith.addi %scan3A_67, %scan3A_68 : i32
    %scan3A_70 = arith.constant 1 : i32
    scf.for %scan3A_258 = %scan3A_67 to %scan3A_69 step %scan3A_70  : i32 {
      %mul3A_259 = arith.constant 3 : i32
      %mul3A_260 = arith.muli %scan3A_258, %mul3A_259 : i32
      %add3A_261 = arith.constant 0 : i32
      %add3A_262 = arith.addi %mul3A_260, %add3A_261 : i32
      %dma_wait3A_263 = arith.constant 0 : i32
      %dma_wait3A_264 = arith.constant 0 : i32
      %dma_wait3A_265 = arith.constant 0 : i32
      %dma_wait3A_266 = arith.constant 0 : i32
      %dma_wait3A_267 = tpu.memref_slice %arg11[%dma_wait3A_264, %dma_wait3A_265, %dma_wait3A_266] : memref<3x200x128xf32, #tpu.memory_space<vmem>> -> memref<1x104x128xf32, #tpu.memory_space<vmem>>
      %dma_wait3A_268 = tpu.memref_squeeze %dma_wait3A_267 : memref<1x104x128xf32, #tpu.memory_space<vmem>> -> memref<104x128xf32, #tpu.memory_space<vmem>>
      %dma_wait3A_269 = arith.constant 0 : i32
      %dma_wait3A_270 = tpu.memref_slice %arg10[%dma_wait3A_263, %dma_wait3A_269] : memref<128x200xi32, #tpu.memory_space<vmem>> -> memref<1x104xi32, #tpu.memory_space<vmem>>
      %dma_wait3A_271 = tpu.memref_squeeze %dma_wait3A_270 : memref<1x104xi32, #tpu.memory_space<vmem>> -> memref<104xi32, #tpu.memory_space<vmem>>
      %dma_wait3A_272 = arith.constant 0 : i32
      %dma_wait3A_273 = arith.constant 0 : i32
      %dma_wait3A_274 = tpu.memref_slice %arg4[%dma_wait3A_272, %dma_wait3A_273] : memref<1000000x128xf32, #tpu.memory_space<hbm>> -> memref<1000000x128xf32, #tpu.memory_space<hbm>>
      tpu.wait_indirect_dma semaphore(%arg16 : memref<!tpu.dma_semaphore, #tpu.memory_space<semaphore_mem>>) src(%dma_wait3A_274 : memref<1000000x128xf32, #tpu.memory_space<hbm>>) dst(%dma_wait3A_268 : memref<104x128xf32, #tpu.memory_space<vmem>>)
      %dma_wait3A_275 = arith.constant 0 : i32
      %dma_wait3A_276 = arith.constant 0 : i32
      %dma_wait3A_277 = arith.constant 104 : i32
      %dma_wait3A_278 = arith.constant 0 : i32
      %dma_wait3A_279 = tpu.memref_slice %arg11[%dma_wait3A_276, %dma_wait3A_277, %dma_wait3A_278] : memref<3x200x128xf32, #tpu.memory_space<vmem>> -> memref<1x96x128xf32, #tpu.memory_space<vmem>>
      %dma_wait3A_280 = tpu.memref_squeeze %dma_wait3A_279 : memref<1x96x128xf32, #tpu.memory_space<vmem>> -> memref<96x128xf32, #tpu.memory_space<vmem>>
      %dma_wait3A_281 = arith.constant 104 : i32
      %dma_wait3A_282 = tpu.memref_slice %arg10[%dma_wait3A_275, %dma_wait3A_281] : memref<128x200xi32, #tpu.memory_space<vmem>> -> memref<1x96xi32, #tpu.memory_space<vmem>>
      %dma_wait3A_283 = tpu.memref_squeeze %dma_wait3A_282 : memref<1x96xi32, #tpu.memory_space<vmem>> -> memref<96xi32, #tpu.memory_space<vmem>>
      %dma_wait3A_284 = arith.constant 0 : i32
      %dma_wait3A_285 = arith.constant 0 : i32
      %dma_wait3A_286 = tpu.memref_slice %arg4[%dma_wait3A_284, %dma_wait3A_285] : memref<1000000x128xf32, #tpu.memory_space<hbm>> -> memref<1000000x128xf32, #tpu.memory_space<hbm>>
      tpu.wait_indirect_dma semaphore(%arg16 : memref<!tpu.dma_semaphore, #tpu.memory_space<semaphore_mem>>) src(%dma_wait3A_286 : memref<1000000x128xf32, #tpu.memory_space<hbm>>) dst(%dma_wait3A_280 : memref<96x128xf32, #tpu.memory_space<vmem>>)
      %add3A_287 = arith.addi %mul3A_2, %add3A_262 : i32
      %dma_start3A_288 = arith.constant 0 : i32
      %dma_start3A_289 = arith.constant 0 : i32
      %dma_start3A_290 = arith.constant 0 : i32
      %dma_start3A_291 = tpu.memref_slice %arg11[%dma_start3A_288, %dma_start3A_289, %dma_start3A_290] : memref<3x200x128xf32, #tpu.memory_space<vmem>> -> memref<1x200x128xf32, #tpu.memory_space<vmem>>
      %dma_start3A_292 = tpu.memref_squeeze %dma_start3A_291 : memref<1x200x128xf32, #tpu.memory_space<vmem>> -> memref<200x128xf32, #tpu.memory_space<vmem>>
      %dma_start3A_293 = arith.constant 0 : i32
      %dma_start3A_294 = arith.constant 0 : i32
      %dma_start3A_295 = tpu.memref_slice %arg6[%add3A_287, %dma_start3A_293, %dma_start3A_294] : memref<4096x200x128xf32, #tpu.memory_space<hbm>> -> memref<1x200x128xf32, #tpu.memory_space<hbm>>
      %dma_start3A_296 = tpu.memref_squeeze %dma_start3A_295 : memref<1x200x128xf32, #tpu.memory_space<hbm>> -> memref<200x128xf32, #tpu.memory_space<hbm>>
      %dma_start3A_297 = arith.constant 0 : i32
      %dma_start3A_298 = arith.constant 0 : i32
      %dma_start3A_299 = tpu.memref_slice %arg6[%add3A_287, %dma_start3A_297, %dma_start3A_298] : memref<4096x200x128xf32, #tpu.memory_space<hbm>> -> memref<1x200x128xf32, #tpu.memory_space<hbm>>
      %dma_start3A_300 = tpu.memref_squeeze %dma_start3A_299 : memref<1x200x128xf32, #tpu.memory_space<hbm>> -> memref<200x128xf32, #tpu.memory_space<hbm>>
      %dma_start3A_301 = arith.constant 0 : i32
      %dma_start3A_302 = arith.constant 0 : i32
      %dma_start3A_303 = tpu.memref_slice %arg11[%dma_start3A_288, %dma_start3A_301, %dma_start3A_302] : memref<3x200x128xf32, #tpu.memory_space<vmem>> -> memref<1x200x128xf32, #tpu.memory_space<vmem>>
      %dma_start3A_304 = tpu.memref_squeeze %dma_start3A_303 : memref<1x200x128xf32, #tpu.memory_space<vmem>> -> memref<200x128xf32, #tpu.memory_space<vmem>>
      tpu.enqueue_dma source(%dma_start3A_304 : memref<200x128xf32, #tpu.memory_space<vmem>>) target(%dma_start3A_300 : memref<200x128xf32, #tpu.memory_space<hbm>>) target_semaphore(%arg19 : memref<!tpu.dma_semaphore, #tpu.memory_space<semaphore_mem>>)
      %ge3A = arith.constant 1 : i32
      %ge3A_305 = arith.cmpi sge, %add3A_262, %ge3A : i32
      %convert_element_type3A = arith.extui %ge3A_305 : i1 to i32
      %cond3A = arith.constant 0 : i32
      %cond3A_306 = arith.cmpi ne, %convert_element_type3A, %cond3A : i32
      scf.if %cond3A_306 {
        %dma_wait3A_489 = arith.constant 2 : i32
        %dma_wait3A_490 = arith.constant 0 : i32
        %dma_wait3A_491 = arith.constant 0 : i32
        %dma_wait3A_492 = arith.constant 0 : i32
        %dma_wait3A_493 = tpu.memref_slice %arg11[%dma_wait3A_489, %dma_wait3A_491, %dma_wait3A_492] : memref<3x200x128xf32, #tpu.memory_space<vmem>> -> memref<1x200x128xf32, #tpu.memory_space<vmem>>
        %dma_wait3A_494 = tpu.memref_squeeze %dma_wait3A_493 : memref<1x200x128xf32, #tpu.memory_space<vmem>> -> memref<200x128xf32, #tpu.memory_space<vmem>>
        %dma_wait3A_495 = arith.constant 0 : i32
        %dma_wait3A_496 = arith.constant 0 : i32
        %dma_wait3A_497 = tpu.memref_slice %arg6[%dma_wait3A_490, %dma_wait3A_495, %dma_wait3A_496] : memref<4096x200x128xf32, #tpu.memory_space<hbm>> -> memref<1x200x128xf32, #tpu.memory_space<hbm>>
        %dma_wait3A_498 = tpu.memref_squeeze %dma_wait3A_497 : memref<1x200x128xf32, #tpu.memory_space<hbm>> -> memref<200x128xf32, #tpu.memory_space<hbm>>
        %dma_wait3A_499 = arith.constant 0 : i32
        %dma_wait3A_500 = arith.constant 0 : i32
        %dma_wait3A_501 = tpu.memref_slice %arg6[%dma_wait3A_490, %dma_wait3A_499, %dma_wait3A_500] : memref<4096x200x128xf32, #tpu.memory_space<hbm>> -> memref<1x200x128xf32, #tpu.memory_space<hbm>>
        %dma_wait3A_502 = tpu.memref_squeeze %dma_wait3A_501 : memref<1x200x128xf32, #tpu.memory_space<hbm>> -> memref<200x128xf32, #tpu.memory_space<hbm>>
        %dma_wait3A_503 = arith.constant 0 : i32
        %dma_wait3A_504 = arith.constant 0 : i32
        %dma_wait3A_505 = tpu.memref_slice %arg11[%dma_wait3A_489, %dma_wait3A_503, %dma_wait3A_504] : memref<3x200x128xf32, #tpu.memory_space<vmem>> -> memref<1x200x128xf32, #tpu.memory_space<vmem>>
        %dma_wait3A_506 = tpu.memref_squeeze %dma_wait3A_505 : memref<1x200x128xf32, #tpu.memory_space<vmem>> -> memref<200x128xf32, #tpu.memory_space<vmem>>
        tpu.wait_dma2 semaphore(%arg21 : memref<!tpu.dma_semaphore, #tpu.memory_space<semaphore_mem>>) src(%dma_wait3A_506 : memref<200x128xf32, #tpu.memory_space<vmem>>) dst(%dma_wait3A_502 : memref<200x128xf32, #tpu.memory_space<hbm>>)
      } else {
      }
      %add3A_307 = arith.constant 2 : i32
      %add3A_308 = arith.addi %add3A_262, %add3A_307 : i32
      %lt3A = arith.constant 128 : i32
      %lt3A_309 = arith.cmpi slt, %add3A_308, %lt3A : i32
      %convert_element_type3A_310 = arith.extui %lt3A_309 : i1 to i32
      %cond3A_311 = arith.constant 0 : i32
      %cond3A_312 = arith.cmpi ne, %convert_element_type3A_310, %cond3A_311 : i32
      scf.if %cond3A_312 {
        %add3A_489 = arith.constant 2 : i32
        %add3A_490 = arith.addi %add3A_262, %add3A_489 : i32
        %dma_start3A_491 = arith.constant 2 : i32
        %dma_start3A_492 = arith.constant 0 : i32
        %dma_start3A_493 = arith.constant 0 : i32
        %dma_start3A_494 = tpu.memref_slice %arg11[%dma_start3A_491, %dma_start3A_492, %dma_start3A_493] : memref<3x200x128xf32, #tpu.memory_space<vmem>> -> memref<1x104x128xf32, #tpu.memory_space<vmem>>
        %dma_start3A_495 = tpu.memref_squeeze %dma_start3A_494 : memref<1x104x128xf32, #tpu.memory_space<vmem>> -> memref<104x128xf32, #tpu.memory_space<vmem>>
        %dma_start3A_496 = arith.constant 0 : i32
        %dma_start3A_497 = tpu.memref_slice %arg10[%add3A_490, %dma_start3A_496] : memref<128x200xi32, #tpu.memory_space<vmem>> -> memref<1x104xi32, #tpu.memory_space<vmem>>
        %dma_start3A_498 = tpu.memref_squeeze %dma_start3A_497 : memref<1x104xi32, #tpu.memory_space<vmem>> -> memref<104xi32, #tpu.memory_space<vmem>>
        %dma_start3A_499 = arith.constant 0 : i32
        %dma_start3A_500 = arith.constant 0 : i32
        %dma_start3A_501 = tpu.memref_slice %arg4[%dma_start3A_499, %dma_start3A_500] : memref<1000000x128xf32, #tpu.memory_space<hbm>> -> memref<1000000x128xf32, #tpu.memory_space<hbm>>
        tpu.enqueue_indirect_dma source(%dma_start3A_501 : memref<1000000x128xf32, #tpu.memory_space<hbm>>) target(%dma_start3A_495 : memref<104x128xf32, #tpu.memory_space<vmem>>) offsets(%dma_start3A_498 : memref<104xi32, #tpu.memory_space<vmem>>) semaphore(%arg18 : memref<!tpu.dma_semaphore, #tpu.memory_space<semaphore_mem>>)
        %dma_start3A_502 = arith.constant 2 : i32
        %dma_start3A_503 = arith.constant 104 : i32
        %dma_start3A_504 = arith.constant 0 : i32
        %dma_start3A_505 = tpu.memref_slice %arg11[%dma_start3A_502, %dma_start3A_503, %dma_start3A_504] : memref<3x200x128xf32, #tpu.memory_space<vmem>> -> memref<1x96x128xf32, #tpu.memory_space<vmem>>
        %dma_start3A_506 = tpu.memref_squeeze %dma_start3A_505 : memref<1x96x128xf32, #tpu.memory_space<vmem>> -> memref<96x128xf32, #tpu.memory_space<vmem>>
        %dma_start3A_507 = arith.constant 104 : i32
        %dma_start3A_508 = tpu.memref_slice %arg10[%add3A_490, %dma_start3A_507] : memref<128x200xi32, #tpu.memory_space<vmem>> -> memref<1x96xi32, #tpu.memory_space<vmem>>
        %dma_start3A_509 = tpu.memref_squeeze %dma_start3A_508 : memref<1x96xi32, #tpu.memory_space<vmem>> -> memref<96xi32, #tpu.memory_space<vmem>>
        %dma_start3A_510 = arith.constant 0 : i32
        %dma_start3A_511 = arith.constant 0 : i32
        %dma_start3A_512 = tpu.memref_slice %arg4[%dma_start3A_510, %dma_start3A_511] : memref<1000000x128xf32, #tpu.memory_space<hbm>> -> memref<1000000x128xf32, #tpu.memory_space<hbm>>
        tpu.enqueue_indirect_dma source(%dma_start3A_512 : memref<1000000x128xf32, #tpu.memory_space<hbm>>) target(%dma_start3A_506 : memref<96x128xf32, #tpu.memory_space<vmem>>) offsets(%dma_start3A_509 : memref<96xi32, #tpu.memory_space<vmem>>) semaphore(%arg18 : memref<!tpu.dma_semaphore, #tpu.memory_space<semaphore_mem>>)
      } else {
      }
      %broadcast_in_dim3A_313 = arith.constant 0.000000e+00 : f32
      %broadcast_in_dim3A_314 = vector.broadcast %broadcast_in_dim3A_313 : f32 to vector<16xf32>
      %scan3A_315 = arith.constant 0 : i32
      %scan3A_316 = arith.constant 200 : i32
      %scan3A_317 = arith.addi %scan3A_315, %scan3A_316 : i32
      %scan3A_318 = arith.constant 4 : i32
      %scan3A_319:4 = scf.for %scan3A_489 = %scan3A_315 to %scan3A_317 step %scan3A_318 iter_args(%scan3A_490 = %broadcast_in_dim3A_314, %scan3A_491 = %broadcast_in_dim3A_314, %scan3A_492 = %broadcast_in_dim3A_314, %scan3A_493 = %broadcast_in_dim3A_314) -> (vector<16xf32>, vector<16xf32>, vector<16xf32>, vector<16xf32>)  : i32 {
        %get3A = arith.constant 0 : i32
        %get3A_494 = arith.index_cast %get3A : i32 to index
        %get3A_495 = arith.index_cast %scan3A_489 : i32 to index
        %get3A_496 = arith.constant 0 : index
        %get3A_497 = tpu.vector_load %arg11[%get3A_494, %get3A_495, %get3A_496] {strides = array<i32>} : memref<3x200x128xf32, #tpu.memory_space<vmem>>, vector<16xf32>,
        %add3A_498 = arith.addf %scan3A_490, %get3A_497 : vector<16xf32>
        %get3A_499 = arith.constant 0 : i32
        %get3A_500 = arith.index_cast %get3A_499 : i32 to index
        %get3A_501 = arith.index_cast %scan3A_489 : i32 to index
        %get3A_502 = arith.constant 16 : index
        %get3A_503 = tpu.vector_load %arg11[%get3A_500, %get3A_501, %get3A_502] {strides = array<i32>} : memref<3x200x128xf32, #tpu.memory_space<vmem>>, vector<16xf32>,
        %add3A_504 = arith.addf %scan3A_491, %get3A_503 : vector<16xf32>
        %get3A_505 = arith.constant 0 : i32
        %get3A_506 = arith.index_cast %get3A_505 : i32 to index
        %get3A_507 = arith.index_cast %scan3A_489 : i32 to index
        %get3A_508 = arith.constant 32 : index
        %get3A_509 = tpu.vector_load %arg11[%get3A_506, %get3A_507, %get3A_508] {strides = array<i32>} : memref<3x200x128xf32, #tpu.memory_space<vmem>>, vector<16xf32>,
        %add3A_510 = arith.addf %scan3A_492, %get3A_509 : vector<16xf32>
        %get3A_511 = arith.constant 0 : i32
        %get3A_512 = arith.index_cast %get3A_511 : i32 to index
        %get3A_513 = arith.index_cast %scan3A_489 : i32 to index
        %get3A_514 = arith.constant 48 : index
        %get3A_515 = tpu.vector_load %arg11[%get3A_512, %get3A_513, %get3A_514] {strides = array<i32>} : memref<3x200x128xf32, #tpu.memory_space<vmem>>, vector<16xf32>,
        %add3A_516 = arith.addf %scan3A_493, %get3A_515 : vector<16xf32>
        %scan3A_517 = arith.constant 1 : i32
        %scan3A_518 = arith.addi %scan3A_489, %scan3A_517 : i32
        %get3A_519 = arith.constant 0 : i32
        %get3A_520 = arith.index_cast %get3A_519 : i32 to index
        %get3A_521 = arith.index_cast %scan3A_518 : i32 to index
        %get3A_522 = arith.constant 0 : index
        %get3A_523 = tpu.vector_load %arg11[%get3A_520, %get3A_521, %get3A_522] {strides = array<i32>} : memref<3x200x128xf32, #tpu.memory_space<vmem>>, vector<16xf32>,
        %add3A_524 = arith.addf %add3A_498, %get3A_523 : vector<16xf32>
        %get3A_525 = arith.constant 0 : i32
        %get3A_526 = arith.index_cast %get3A_525 : i32 to index
        %get3A_527 = arith.index_cast %scan3A_518 : i32 to index
        %get3A_528 = arith.constant 16 : index
        %get3A_529 = tpu.vector_load %arg11[%get3A_526, %get3A_527, %get3A_528] {strides = array<i32>} : memref<3x200x128xf32, #tpu.memory_space<vmem>>, vector<16xf32>,
        %add3A_530 = arith.addf %add3A_504, %get3A_529 : vector<16xf32>
        %get3A_531 = arith.constant 0 : i32
        %get3A_532 = arith.index_cast %get3A_531 : i32 to index
        %get3A_533 = arith.index_cast %scan3A_518 : i32 to index
        %get3A_534 = arith.constant 32 : index
        %get3A_535 = tpu.vector_load %arg11[%get3A_532, %get3A_533, %get3A_534] {strides = array<i32>} : memref<3x200x128xf32, #tpu.memory_space<vmem>>, vector<16xf32>,
        %add3A_536 = arith.addf %add3A_510, %get3A_535 : vector<16xf32>
        %get3A_537 = arith.constant 0 : i32
        %get3A_538 = arith.index_cast %get3A_537 : i32 to index
        %get3A_539 = arith.index_cast %scan3A_518 : i32 to index
        %get3A_540 = arith.constant 48 : index
        %get3A_541 = tpu.vector_load %arg11[%get3A_538, %get3A_539, %get3A_540] {strides = array<i32>} : memref<3x200x128xf32, #tpu.memory_space<vmem>>, vector<16xf32>,
        %add3A_542 = arith.addf %add3A_516, %get3A_541 : vector<16xf32>
        %scan3A_543 = arith.constant 2 : i32
        %scan3A_544 = arith.addi %scan3A_489, %scan3A_543 : i32
        %get3A_545 = arith.constant 0 : i32
        %get3A_546 = arith.index_cast %get3A_545 : i32 to index
        %get3A_547 = arith.index_cast %scan3A_544 : i32 to index
        %get3A_548 = arith.constant 0 : index
        %get3A_549 = tpu.vector_load %arg11[%get3A_546, %get3A_547, %get3A_548] {strides = array<i32>} : memref<3x200x128xf32, #tpu.memory_space<vmem>>, vector<16xf32>,
        %add3A_550 = arith.addf %add3A_524, %get3A_549 : vector<16xf32>
        %get3A_551 = arith.constant 0 : i32
        %get3A_552 = arith.index_cast %get3A_551 : i32 to index
        %get3A_553 = arith.index_cast %scan3A_544 : i32 to index
        %get3A_554 = arith.constant 16 : index
        %get3A_555 = tpu.vector_load %arg11[%get3A_552, %get3A_553, %get3A_554] {strides = array<i32>} : memref<3x200x128xf32, #tpu.memory_space<vmem>>, vector<16xf32>,
        %add3A_556 = arith.addf %add3A_530, %get3A_555 : vector<16xf32>
        %get3A_557 = arith.constant 0 : i32
        %get3A_558 = arith.index_cast %get3A_557 : i32 to index
        %get3A_559 = arith.index_cast %scan3A_544 : i32 to index
        %get3A_560 = arith.constant 32 : index
        %get3A_561 = tpu.vector_load %arg11[%get3A_558, %get3A_559, %get3A_560] {strides = array<i32>} : memref<3x200x128xf32, #tpu.memory_space<vmem>>, vector<16xf32>,
        %add3A_562 = arith.addf %add3A_536, %get3A_561 : vector<16xf32>
        %get3A_563 = arith.constant 0 : i32
        %get3A_564 = arith.index_cast %get3A_563 : i32 to index
        %get3A_565 = arith.index_cast %scan3A_544 : i32 to index
        %get3A_566 = arith.constant 48 : index
        %get3A_567 = tpu.vector_load %arg11[%get3A_564, %get3A_565, %get3A_566] {strides = array<i32>} : memref<3x200x128xf32, #tpu.memory_space<vmem>>, vector<16xf32>,
        %add3A_568 = arith.addf %add3A_542, %get3A_567 : vector<16xf32>
        %scan3A_569 = arith.constant 3 : i32
        %scan3A_570 = arith.addi %scan3A_489, %scan3A_569 : i32
        %get3A_571 = arith.constant 0 : i32
        %get3A_572 = arith.index_cast %get3A_571 : i32 to index
        %get3A_573 = arith.index_cast %scan3A_570 : i32 to index
        %get3A_574 = arith.constant 0 : index
        %get3A_575 = tpu.vector_load %arg11[%get3A_572, %get3A_573, %get3A_574] {strides = array<i32>} : memref<3x200x128xf32, #tpu.memory_space<vmem>>, vector<16xf32>,
        %add3A_576 = arith.addf %add3A_550, %get3A_575 : vector<16xf32>
        %get3A_577 = arith.constant 0 : i32
        %get3A_578 = arith.index_cast %get3A_577 : i32 to index
        %get3A_579 = arith.index_cast %scan3A_570 : i32 to index
        %get3A_580 = arith.constant 16 : index
        %get3A_581 = tpu.vector_load %arg11[%get3A_578, %get3A_579, %get3A_580] {strides = array<i32>} : memref<3x200x128xf32, #tpu.memory_space<vmem>>, vector<16xf32>,
        %add3A_582 = arith.addf %add3A_556, %get3A_581 : vector<16xf32>
        %get3A_583 = arith.constant 0 : i32
        %get3A_584 = arith.index_cast %get3A_583 : i32 to index
        %get3A_585 = arith.index_cast %scan3A_570 : i32 to index
        %get3A_586 = arith.constant 32 : index
        %get3A_587 = tpu.vector_load %arg11[%get3A_584, %get3A_585, %get3A_586] {strides = array<i32>} : memref<3x200x128xf32, #tpu.memory_space<vmem>>, vector<16xf32>,
        %add3A_588 = arith.addf %add3A_562, %get3A_587 : vector<16xf32>
        %get3A_589 = arith.constant 0 : i32
        %get3A_590 = arith.index_cast %get3A_589 : i32 to index
        %get3A_591 = arith.index_cast %scan3A_570 : i32 to index
        %get3A_592 = arith.constant 48 : index
        %get3A_593 = tpu.vector_load %arg11[%get3A_590, %get3A_591, %get3A_592] {strides = array<i32>} : memref<3x200x128xf32, #tpu.memory_space<vmem>>, vector<16xf32>,
        %add3A_594 = arith.addf %add3A_568, %get3A_593 : vector<16xf32>
        scf.yield %add3A_576, %add3A_582, %add3A_588, %add3A_594 : vector<16xf32>, vector<16xf32>, vector<16xf32>, vector<16xf32>
      }
      %scan3A_320 = arith.constant 200 : i32
      %swap3A_321 = arith.index_cast %add3A_262 : i32 to index
      %swap3A_322 = arith.constant 0 : index
      %swap3A_323 = tpu.vector_load %arg12[%swap3A_321, %swap3A_322] {strides = array<i32>} : memref<128x64xf32, #tpu.memory_space<vmem>>, vector<16xf32>,
      tpu.vector_store %arg12[%swap3A_321, %swap3A_322], %scan3A_319#0 {strides = array<i32>} : memref<128x64xf32, #tpu.memory_space<vmem>>, vector<16xf32>,
      %swap3A_324 = arith.index_cast %add3A_262 : i32 to index
      %swap3A_325 = arith.constant 16 : index
      %swap3A_326 = tpu.vector_load %arg12[%swap3A_324, %swap3A_325] {strides = array<i32>} : memref<128x64xf32, #tpu.memory_space<vmem>>, vector<16xf32>,
      tpu.vector_store %arg12[%swap3A_324, %swap3A_325], %scan3A_319#1 {strides = array<i32>} : memref<128x64xf32, #tpu.memory_space<vmem>>, vector<16xf32>,
      %swap3A_327 = arith.index_cast %add3A_262 : i32 to index
      %swap3A_328 = arith.constant 32 : index
      %swap3A_329 = tpu.vector_load %arg12[%swap3A_327, %swap3A_328] {strides = array<i32>} : memref<128x64xf32, #tpu.memory_space<vmem>>, vector<16xf32>,
      tpu.vector_store %arg12[%swap3A_327, %swap3A_328], %scan3A_319#2 {strides = array<i32>} : memref<128x64xf32, #tpu.memory_space<vmem>>, vector<16xf32>,
      %swap3A_330 = arith.index_cast %add3A_262 : i32 to index
      %swap3A_331 = arith.constant 48 : index
      %swap3A_332 = tpu.vector_load %arg12[%swap3A_330, %swap3A_331] {strides = array<i32>} : memref<128x64xf32, #tpu.memory_space<vmem>>, vector<16xf32>,
      tpu.vector_store %arg12[%swap3A_330, %swap3A_331], %scan3A_319#3 {strides = array<i32>} : memref<128x64xf32, #tpu.memory_space<vmem>>, vector<16xf32>,
      %mul3A_333 = arith.constant 3 : i32
      %mul3A_334 = arith.muli %scan3A_258, %mul3A_333 : i32
      %add3A_335 = arith.constant 1 : i32
      %add3A_336 = arith.addi %mul3A_334, %add3A_335 : i32
      %dma_wait3A_337 = arith.constant 0 : i32
      %dma_wait3A_338 = arith.constant 1 : i32
      %dma_wait3A_339 = arith.constant 0 : i32
      %dma_wait3A_340 = arith.constant 0 : i32
      %dma_wait3A_341 = tpu.memref_slice %arg11[%dma_wait3A_338, %dma_wait3A_339, %dma_wait3A_340] : memref<3x200x128xf32, #tpu.memory_space<vmem>> -> memref<1x104x128xf32, #tpu.memory_space<vmem>>
      %dma_wait3A_342 = tpu.memref_squeeze %dma_wait3A_341 : memref<1x104x128xf32, #tpu.memory_space<vmem>> -> memref<104x128xf32, #tpu.memory_space<vmem>>
      %dma_wait3A_343 = arith.constant 0 : i32
      %dma_wait3A_344 = tpu.memref_slice %arg10[%dma_wait3A_337, %dma_wait3A_343] : memref<128x200xi32, #tpu.memory_space<vmem>> -> memref<1x104xi32, #tpu.memory_space<vmem>>
      %dma_wait3A_345 = tpu.memref_squeeze %dma_wait3A_344 : memref<1x104xi32, #tpu.memory_space<vmem>> -> memref<104xi32, #tpu.memory_space<vmem>>
      %dma_wait3A_346 = arith.constant 0 : i32
      %dma_wait3A_347 = arith.constant 0 : i32
      %dma_wait3A_348 = tpu.memref_slice %arg4[%dma_wait3A_346, %dma_wait3A_347] : memref<1000000x128xf32, #tpu.memory_space<hbm>> -> memref<1000000x128xf32, #tpu.memory_space<hbm>>
      tpu.wait_indirect_dma semaphore(%arg17 : memref<!tpu.dma_semaphore, #tpu.memory_space<semaphore_mem>>) src(%dma_wait3A_348 : memref<1000000x128xf32, #tpu.memory_space<hbm>>) dst(%dma_wait3A_342 : memref<104x128xf32, #tpu.memory_space<vmem>>)
      %dma_wait3A_349 = arith.constant 0 : i32
      %dma_wait3A_350 = arith.constant 1 : i32
      %dma_wait3A_351 = arith.constant 104 : i32
      %dma_wait3A_352 = arith.constant 0 : i32
      %dma_wait3A_353 = tpu.memref_slice %arg11[%dma_wait3A_350, %dma_wait3A_351, %dma_wait3A_352] : memref<3x200x128xf32, #tpu.memory_space<vmem>> -> memref<1x96x128xf32, #tpu.memory_space<vmem>>
      %dma_wait3A_354 = tpu.memref_squeeze %dma_wait3A_353 : memref<1x96x128xf32, #tpu.memory_space<vmem>> -> memref<96x128xf32, #tpu.memory_space<vmem>>
      %dma_wait3A_355 = arith.constant 104 : i32
      %dma_wait3A_356 = tpu.memref_slice %arg10[%dma_wait3A_349, %dma_wait3A_355] : memref<128x200xi32, #tpu.memory_space<vmem>> -> memref<1x96xi32, #tpu.memory_space<vmem>>
      %dma_wait3A_357 = tpu.memref_squeeze %dma_wait3A_356 : memref<1x96xi32, #tpu.memory_space<vmem>> -> memref<96xi32, #tpu.memory_space<vmem>>
      %dma_wait3A_358 = arith.constant 0 : i32
      %dma_wait3A_359 = arith.constant 0 : i32
      %dma_wait3A_360 = tpu.memref_slice %arg4[%dma_wait3A_358, %dma_wait3A_359] : memref<1000000x128xf32, #tpu.memory_space<hbm>> -> memref<1000000x128xf32, #tpu.memory_space<hbm>>
      tpu.wait_indirect_dma semaphore(%arg17 : memref<!tpu.dma_semaphore, #tpu.memory_space<semaphore_mem>>) src(%dma_wait3A_360 : memref<1000000x128xf32, #tpu.memory_space<hbm>>) dst(%dma_wait3A_354 : memref<96x128xf32, #tpu.memory_space<vmem>>)
      %add3A_361 = arith.addi %mul3A_2, %add3A_336 : i32
      %dma_start3A_362 = arith.constant 1 : i32
      %dma_start3A_363 = arith.constant 0 : i32
      %dma_start3A_364 = arith.constant 0 : i32
      %dma_start3A_365 = tpu.memref_slice %arg11[%dma_start3A_362, %dma_start3A_363, %dma_start3A_364] : memref<3x200x128xf32, #tpu.memory_space<vmem>> -> memref<1x200x128xf32, #tpu.memory_space<vmem>>
      %dma_start3A_366 = tpu.memref_squeeze %dma_start3A_365 : memref<1x200x128xf32, #tpu.memory_space<vmem>> -> memref<200x128xf32, #tpu.memory_space<vmem>>
      %dma_start3A_367 = arith.constant 0 : i32
      %dma_start3A_368 = arith.constant 0 : i32
      %dma_start3A_369 = tpu.memref_slice %arg6[%add3A_361, %dma_start3A_367, %dma_start3A_368] : memref<4096x200x128xf32, #tpu.memory_space<hbm>> -> memref<1x200x128xf32, #tpu.memory_space<hbm>>
      %dma_start3A_370 = tpu.memref_squeeze %dma_start3A_369 : memref<1x200x128xf32, #tpu.memory_space<hbm>> -> memref<200x128xf32, #tpu.memory_space<hbm>>
      %dma_start3A_371 = arith.constant 0 : i32
      %dma_start3A_372 = arith.constant 0 : i32
      %dma_start3A_373 = tpu.memref_slice %arg6[%add3A_361, %dma_start3A_371, %dma_start3A_372] : memref<4096x200x128xf32, #tpu.memory_space<hbm>> -> memref<1x200x128xf32, #tpu.memory_space<hbm>>
      %dma_start3A_374 = tpu.memref_squeeze %dma_start3A_373 : memref<1x200x128xf32, #tpu.memory_space<hbm>> -> memref<200x128xf32, #tpu.memory_space<hbm>>
      %dma_start3A_375 = arith.constant 0 : i32
      %dma_start3A_376 = arith.constant 0 : i32
      %dma_start3A_377 = tpu.memref_slice %arg11[%dma_start3A_362, %dma_start3A_375, %dma_start3A_376] : memref<3x200x128xf32, #tpu.memory_space<vmem>> -> memref<1x200x128xf32, #tpu.memory_space<vmem>>
      %dma_start3A_378 = tpu.memref_squeeze %dma_start3A_377 : memref<1x200x128xf32, #tpu.memory_space<vmem>> -> memref<200x128xf32, #tpu.memory_space<vmem>>
      tpu.enqueue_dma source(%dma_start3A_378 : memref<200x128xf32, #tpu.memory_space<vmem>>) target(%dma_start3A_374 : memref<200x128xf32, #tpu.memory_space<hbm>>) target_semaphore(%arg20 : memref<!tpu.dma_semaphore, #tpu.memory_space<semaphore_mem>>)
      %ge3A_379 = arith.constant 1 : i32
      %ge3A_380 = arith.cmpi sge, %add3A_336, %ge3A_379 : i32
      %convert_element_type3A_381 = arith.extui %ge3A_380 : i1 to i32
      %cond3A_382 = arith.constant 0 : i32
      %cond3A_383 = arith.cmpi ne, %convert_element_type3A_381, %cond3A_382 : i32
      scf.if %cond3A_383 {
        %dma_wait3A_489 = arith.constant 0 : i32
        %dma_wait3A_490 = arith.constant 0 : i32
        %dma_wait3A_491 = arith.constant 0 : i32
        %dma_wait3A_492 = arith.constant 0 : i32
        %dma_wait3A_493 = tpu.memref_slice %arg11[%dma_wait3A_489, %dma_wait3A_491, %dma_wait3A_492] : memref<3x200x128xf32, #tpu.memory_space<vmem>> -> memref<1x200x128xf32, #tpu.memory_space<vmem>>
        %dma_wait3A_494 = tpu.memref_squeeze %dma_wait3A_493 : memref<1x200x128xf32, #tpu.memory_space<vmem>> -> memref<200x128xf32, #tpu.memory_space<vmem>>
        %dma_wait3A_495 = arith.constant 0 : i32
        %dma_wait3A_496 = arith.constant 0 : i32
        %dma_wait3A_497 = tpu.memref_slice %arg6[%dma_wait3A_490, %dma_wait3A_495, %dma_wait3A_496] : memref<4096x200x128xf32, #tpu.memory_space<hbm>> -> memref<1x200x128xf32, #tpu.memory_space<hbm>>
        %dma_wait3A_498 = tpu.memref_squeeze %dma_wait3A_497 : memref<1x200x128xf32, #tpu.memory_space<hbm>> -> memref<200x128xf32, #tpu.memory_space<hbm>>
        %dma_wait3A_499 = arith.constant 0 : i32
        %dma_wait3A_500 = arith.constant 0 : i32
        %dma_wait3A_501 = tpu.memref_slice %arg6[%dma_wait3A_490, %dma_wait3A_499, %dma_wait3A_500] : memref<4096x200x128xf32, #tpu.memory_space<hbm>> -> memref<1x200x128xf32, #tpu.memory_space<hbm>>
        %dma_wait3A_502 = tpu.memref_squeeze %dma_wait3A_501 : memref<1x200x128xf32, #tpu.memory_space<hbm>> -> memref<200x128xf32, #tpu.memory_space<hbm>>
        %dma_wait3A_503 = arith.constant 0 : i32
        %dma_wait3A_504 = arith.constant 0 : i32
        %dma_wait3A_505 = tpu.memref_slice %arg11[%dma_wait3A_489, %dma_wait3A_503, %dma_wait3A_504] : memref<3x200x128xf32, #tpu.memory_space<vmem>> -> memref<1x200x128xf32, #tpu.memory_space<vmem>>
        %dma_wait3A_506 = tpu.memref_squeeze %dma_wait3A_505 : memref<1x200x128xf32, #tpu.memory_space<vmem>> -> memref<200x128xf32, #tpu.memory_space<vmem>>
        tpu.wait_dma2 semaphore(%arg19 : memref<!tpu.dma_semaphore, #tpu.memory_space<semaphore_mem>>) src(%dma_wait3A_506 : memref<200x128xf32, #tpu.memory_space<vmem>>) dst(%dma_wait3A_502 : memref<200x128xf32, #tpu.memory_space<hbm>>)
      } else {
      }
      %add3A_384 = arith.constant 2 : i32
      %add3A_385 = arith.addi %add3A_336, %add3A_384 : i32
      %lt3A_386 = arith.constant 128 : i32
      %lt3A_387 = arith.cmpi slt, %add3A_385, %lt3A_386 : i32
      %convert_element_type3A_388 = arith.extui %lt3A_387 : i1 to i32
      %cond3A_389 = arith.constant 0 : i32
      %cond3A_390 = arith.cmpi ne, %convert_element_type3A_388, %cond3A_389 : i32
      scf.if %cond3A_390 {
        %add3A_489 = arith.constant 2 : i32
        %add3A_490 = arith.addi %add3A_336, %add3A_489 : i32
        %dma_start3A_491 = arith.constant 0 : i32
        %dma_start3A_492 = arith.constant 0 : i32
        %dma_start3A_493 = arith.constant 0 : i32
        %dma_start3A_494 = tpu.memref_slice %arg11[%dma_start3A_491, %dma_start3A_492, %dma_start3A_493] : memref<3x200x128xf32, #tpu.memory_space<vmem>> -> memref<1x104x128xf32, #tpu.memory_space<vmem>>
        %dma_start3A_495 = tpu.memref_squeeze %dma_start3A_494 : memref<1x104x128xf32, #tpu.memory_space<vmem>> -> memref<104x128xf32, #tpu.memory_space<vmem>>
        %dma_start3A_496 = arith.constant 0 : i32
        %dma_start3A_497 = tpu.memref_slice %arg10[%add3A_490, %dma_start3A_496] : memref<128x200xi32, #tpu.memory_space<vmem>> -> memref<1x104xi32, #tpu.memory_space<vmem>>
        %dma_start3A_498 = tpu.memref_squeeze %dma_start3A_497 : memref<1x104xi32, #tpu.memory_space<vmem>> -> memref<104xi32, #tpu.memory_space<vmem>>
        %dma_start3A_499 = arith.constant 0 : i32
        %dma_start3A_500 = arith.constant 0 : i32
        %dma_start3A_501 = tpu.memref_slice %arg4[%dma_start3A_499, %dma_start3A_500] : memref<1000000x128xf32, #tpu.memory_space<hbm>> -> memref<1000000x128xf32, #tpu.memory_space<hbm>>
        tpu.enqueue_indirect_dma source(%dma_start3A_501 : memref<1000000x128xf32, #tpu.memory_space<hbm>>) target(%dma_start3A_495 : memref<104x128xf32, #tpu.memory_space<vmem>>) offsets(%dma_start3A_498 : memref<104xi32, #tpu.memory_space<vmem>>) semaphore(%arg16 : memref<!tpu.dma_semaphore, #tpu.memory_space<semaphore_mem>>)
        %dma_start3A_502 = arith.constant 0 : i32
        %dma_start3A_503 = arith.constant 104 : i32
        %dma_start3A_504 = arith.constant 0 : i32
        %dma_start3A_505 = tpu.memref_slice %arg11[%dma_start3A_502, %dma_start3A_503, %dma_start3A_504] : memref<3x200x128xf32, #tpu.memory_space<vmem>> -> memref<1x96x128xf32, #tpu.memory_space<vmem>>
        %dma_start3A_506 = tpu.memref_squeeze %dma_start3A_505 : memref<1x96x128xf32, #tpu.memory_space<vmem>> -> memref<96x128xf32, #tpu.memory_space<vmem>>
        %dma_start3A_507 = arith.constant 104 : i32
        %dma_start3A_508 = tpu.memref_slice %arg10[%add3A_490, %dma_start3A_507] : memref<128x200xi32, #tpu.memory_space<vmem>> -> memref<1x96xi32, #tpu.memory_space<vmem>>
        %dma_start3A_509 = tpu.memref_squeeze %dma_start3A_508 : memref<1x96xi32, #tpu.memory_space<vmem>> -> memref<96xi32, #tpu.memory_space<vmem>>
        %dma_start3A_510 = arith.constant 0 : i32
        %dma_start3A_511 = arith.constant 0 : i32
        %dma_start3A_512 = tpu.memref_slice %arg4[%dma_start3A_510, %dma_start3A_511] : memref<1000000x128xf32, #tpu.memory_space<hbm>> -> memref<1000000x128xf32, #tpu.memory_space<hbm>>
        tpu.enqueue_indirect_dma source(%dma_start3A_512 : memref<1000000x128xf32, #tpu.memory_space<hbm>>) target(%dma_start3A_506 : memref<96x128xf32, #tpu.memory_space<vmem>>) offsets(%dma_start3A_509 : memref<96xi32, #tpu.memory_space<vmem>>) semaphore(%arg16 : memref<!tpu.dma_semaphore, #tpu.memory_space<semaphore_mem>>)
      } else {
      }
      %broadcast_in_dim3A_391 = arith.constant 0.000000e+00 : f32
      %broadcast_in_dim3A_392 = vector.broadcast %broadcast_in_dim3A_391 : f32 to vector<16xf32>
      %scan3A_393 = arith.constant 0 : i32
      %scan3A_394 = arith.constant 200 : i32
      %scan3A_395 = arith.addi %scan3A_393, %scan3A_394 : i32
      %scan3A_396 = arith.constant 4 : i32
      %scan3A_397:4 = scf.for %scan3A_489 = %scan3A_393 to %scan3A_395 step %scan3A_396 iter_args(%scan3A_490 = %broadcast_in_dim3A_392, %scan3A_491 = %broadcast_in_dim3A_392, %scan3A_492 = %broadcast_in_dim3A_392, %scan3A_493 = %broadcast_in_dim3A_392) -> (vector<16xf32>, vector<16xf32>, vector<16xf32>, vector<16xf32>)  : i32 {
        %get3A = arith.constant 1 : i32
        %get3A_494 = arith.index_cast %get3A : i32 to index
        %get3A_495 = arith.index_cast %scan3A_489 : i32 to index
        %get3A_496 = arith.constant 0 : index
        %get3A_497 = tpu.vector_load %arg11[%get3A_494, %get3A_495, %get3A_496] {strides = array<i32>} : memref<3x200x128xf32, #tpu.memory_space<vmem>>, vector<16xf32>,
        %add3A_498 = arith.addf %scan3A_490, %get3A_497 : vector<16xf32>
        %get3A_499 = arith.constant 1 : i32
        %get3A_500 = arith.index_cast %get3A_499 : i32 to index
        %get3A_501 = arith.index_cast %scan3A_489 : i32 to index
        %get3A_502 = arith.constant 16 : index
        %get3A_503 = tpu.vector_load %arg11[%get3A_500, %get3A_501, %get3A_502] {strides = array<i32>} : memref<3x200x128xf32, #tpu.memory_space<vmem>>, vector<16xf32>,
        %add3A_504 = arith.addf %scan3A_491, %get3A_503 : vector<16xf32>
        %get3A_505 = arith.constant 1 : i32
        %get3A_506 = arith.index_cast %get3A_505 : i32 to index
        %get3A_507 = arith.index_cast %scan3A_489 : i32 to index
        %get3A_508 = arith.constant 32 : index
        %get3A_509 = tpu.vector_load %arg11[%get3A_506, %get3A_507, %get3A_508] {strides = array<i32>} : memref<3x200x128xf32, #tpu.memory_space<vmem>>, vector<16xf32>,
        %add3A_510 = arith.addf %scan3A_492, %get3A_509 : vector<16xf32>
        %get3A_511 = arith.constant 1 : i32
        %get3A_512 = arith.index_cast %get3A_511 : i32 to index
        %get3A_513 = arith.index_cast %scan3A_489 : i32 to index
        %get3A_514 = arith.constant 48 : index
        %get3A_515 = tpu.vector_load %arg11[%get3A_512, %get3A_513, %get3A_514] {strides = array<i32>} : memref<3x200x128xf32, #tpu.memory_space<vmem>>, vector<16xf32>,
        %add3A_516 = arith.addf %scan3A_493, %get3A_515 : vector<16xf32>
        %scan3A_517 = arith.constant 1 : i32
        %scan3A_518 = arith.addi %scan3A_489, %scan3A_517 : i32
        %get3A_519 = arith.constant 1 : i32
        %get3A_520 = arith.index_cast %get3A_519 : i32 to index
        %get3A_521 = arith.index_cast %scan3A_518 : i32 to index
        %get3A_522 = arith.constant 0 : index
        %get3A_523 = tpu.vector_load %arg11[%get3A_520, %get3A_521, %get3A_522] {strides = array<i32>} : memref<3x200x128xf32, #tpu.memory_space<vmem>>, vector<16xf32>,
        %add3A_524 = arith.addf %add3A_498, %get3A_523 : vector<16xf32>
        %get3A_525 = arith.constant 1 : i32
        %get3A_526 = arith.index_cast %get3A_525 : i32 to index
        %get3A_527 = arith.index_cast %scan3A_518 : i32 to index
        %get3A_528 = arith.constant 16 : index
        %get3A_529 = tpu.vector_load %arg11[%get3A_526, %get3A_527, %get3A_528] {strides = array<i32>} : memref<3x200x128xf32, #tpu.memory_space<vmem>>, vector<16xf32>,
        %add3A_530 = arith.addf %add3A_504, %get3A_529 : vector<16xf32>
        %get3A_531 = arith.constant 1 : i32
        %get3A_532 = arith.index_cast %get3A_531 : i32 to index
        %get3A_533 = arith.index_cast %scan3A_518 : i32 to index
        %get3A_534 = arith.constant 32 : index
        %get3A_535 = tpu.vector_load %arg11[%get3A_532, %get3A_533, %get3A_534] {strides = array<i32>} : memref<3x200x128xf32, #tpu.memory_space<vmem>>, vector<16xf32>,
        %add3A_536 = arith.addf %add3A_510, %get3A_535 : vector<16xf32>
        %get3A_537 = arith.constant 1 : i32
        %get3A_538 = arith.index_cast %get3A_537 : i32 to index
        %get3A_539 = arith.index_cast %scan3A_518 : i32 to index
        %get3A_540 = arith.constant 48 : index
        %get3A_541 = tpu.vector_load %arg11[%get3A_538, %get3A_539, %get3A_540] {strides = array<i32>} : memref<3x200x128xf32, #tpu.memory_space<vmem>>, vector<16xf32>,
        %add3A_542 = arith.addf %add3A_516, %get3A_541 : vector<16xf32>
        %scan3A_543 = arith.constant 2 : i32
        %scan3A_544 = arith.addi %scan3A_489, %scan3A_543 : i32
        %get3A_545 = arith.constant 1 : i32
        %get3A_546 = arith.index_cast %get3A_545 : i32 to index
        %get3A_547 = arith.index_cast %scan3A_544 : i32 to index
        %get3A_548 = arith.constant 0 : index
        %get3A_549 = tpu.vector_load %arg11[%get3A_546, %get3A_547, %get3A_548] {strides = array<i32>} : memref<3x200x128xf32, #tpu.memory_space<vmem>>, vector<16xf32>,
        %add3A_550 = arith.addf %add3A_524, %get3A_549 : vector<16xf32>
        %get3A_551 = arith.constant 1 : i32
        %get3A_552 = arith.index_cast %get3A_551 : i32 to index
        %get3A_553 = arith.index_cast %scan3A_544 : i32 to index
        %get3A_554 = arith.constant 16 : index
        %get3A_555 = tpu.vector_load %arg11[%get3A_552, %get3A_553, %get3A_554] {strides = array<i32>} : memref<3x200x128xf32, #tpu.memory_space<vmem>>, vector<16xf32>,
        %add3A_556 = arith.addf %add3A_530, %get3A_555 : vector<16xf32>
        %get3A_557 = arith.constant 1 : i32
        %get3A_558 = arith.index_cast %get3A_557 : i32 to index
        %get3A_559 = arith.index_cast %scan3A_544 : i32 to index
        %get3A_560 = arith.constant 32 : index
        %get3A_561 = tpu.vector_load %arg11[%get3A_558, %get3A_559, %get3A_560] {strides = array<i32>} : memref<3x200x128xf32, #tpu.memory_space<vmem>>, vector<16xf32>,
        %add3A_562 = arith.addf %add3A_536, %get3A_561 : vector<16xf32>
        %get3A_563 = arith.constant 1 : i32
        %get3A_564 = arith.index_cast %get3A_563 : i32 to index
        %get3A_565 = arith.index_cast %scan3A_544 : i32 to index
        %get3A_566 = arith.constant 48 : index
        %get3A_567 = tpu.vector_load %arg11[%get3A_564, %get3A_565, %get3A_566] {strides = array<i32>} : memref<3x200x128xf32, #tpu.memory_space<vmem>>, vector<16xf32>,
        %add3A_568 = arith.addf %add3A_542, %get3A_567 : vector<16xf32>
        %scan3A_569 = arith.constant 3 : i32
        %scan3A_570 = arith.addi %scan3A_489, %scan3A_569 : i32
        %get3A_571 = arith.constant 1 : i32
        %get3A_572 = arith.index_cast %get3A_571 : i32 to index
        %get3A_573 = arith.index_cast %scan3A_570 : i32 to index
        %get3A_574 = arith.constant 0 : index
        %get3A_575 = tpu.vector_load %arg11[%get3A_572, %get3A_573, %get3A_574] {strides = array<i32>} : memref<3x200x128xf32, #tpu.memory_space<vmem>>, vector<16xf32>,
        %add3A_576 = arith.addf %add3A_550, %get3A_575 : vector<16xf32>
        %get3A_577 = arith.constant 1 : i32
        %get3A_578 = arith.index_cast %get3A_577 : i32 to index
        %get3A_579 = arith.index_cast %scan3A_570 : i32 to index
        %get3A_580 = arith.constant 16 : index
        %get3A_581 = tpu.vector_load %arg11[%get3A_578, %get3A_579, %get3A_580] {strides = array<i32>} : memref<3x200x128xf32, #tpu.memory_space<vmem>>, vector<16xf32>,
        %add3A_582 = arith.addf %add3A_556, %get3A_581 : vector<16xf32>
        %get3A_583 = arith.constant 1 : i32
        %get3A_584 = arith.index_cast %get3A_583 : i32 to index
        %get3A_585 = arith.index_cast %scan3A_570 : i32 to index
        %get3A_586 = arith.constant 32 : index
        %get3A_587 = tpu.vector_load %arg11[%get3A_584, %get3A_585, %get3A_586] {strides = array<i32>} : memref<3x200x128xf32, #tpu.memory_space<vmem>>, vector<16xf32>,
        %add3A_588 = arith.addf %add3A_562, %get3A_587 : vector<16xf32>
        %get3A_589 = arith.constant 1 : i32
        %get3A_590 = arith.index_cast %get3A_589 : i32 to index
        %get3A_591 = arith.index_cast %scan3A_570 : i32 to index
        %get3A_592 = arith.constant 48 : index
        %get3A_593 = tpu.vector_load %arg11[%get3A_590, %get3A_591, %get3A_592] {strides = array<i32>} : memref<3x200x128xf32, #tpu.memory_space<vmem>>, vector<16xf32>,
        %add3A_594 = arith.addf %add3A_568, %get3A_593 : vector<16xf32>
        scf.yield %add3A_576, %add3A_582, %add3A_588, %add3A_594 : vector<16xf32>, vector<16xf32>, vector<16xf32>, vector<16xf32>
      }
      %scan3A_398 = arith.constant 200 : i32
      %swap3A_399 = arith.index_cast %add3A_336 : i32 to index
      %swap3A_400 = arith.constant 0 : index
      %swap3A_401 = tpu.vector_load %arg12[%swap3A_399, %swap3A_400] {strides = array<i32>} : memref<128x64xf32, #tpu.memory_space<vmem>>, vector<16xf32>,
      tpu.vector_store %arg12[%swap3A_399, %swap3A_400], %scan3A_397#0 {strides = array<i32>} : memref<128x64xf32, #tpu.memory_space<vmem>>, vector<16xf32>,
      %swap3A_402 = arith.index_cast %add3A_336 : i32 to index
      %swap3A_403 = arith.constant 16 : index
      %swap3A_404 = tpu.vector_load %arg12[%swap3A_402, %swap3A_403] {strides = array<i32>} : memref<128x64xf32, #tpu.memory_space<vmem>>, vector<16xf32>,
      tpu.vector_store %arg12[%swap3A_402, %swap3A_403], %scan3A_397#1 {strides = array<i32>} : memref<128x64xf32, #tpu.memory_space<vmem>>, vector<16xf32>,
      %swap3A_405 = arith.index_cast %add3A_336 : i32 to index
      %swap3A_406 = arith.constant 32 : index
      %swap3A_407 = tpu.vector_load %arg12[%swap3A_405, %swap3A_406] {strides = array<i32>} : memref<128x64xf32, #tpu.memory_space<vmem>>, vector<16xf32>,
      tpu.vector_store %arg12[%swap3A_405, %swap3A_406], %scan3A_397#2 {strides = array<i32>} : memref<128x64xf32, #tpu.memory_space<vmem>>, vector<16xf32>,
      %swap3A_408 = arith.index_cast %add3A_336 : i32 to index
      %swap3A_409 = arith.constant 48 : index
      %swap3A_410 = tpu.vector_load %arg12[%swap3A_408, %swap3A_409] {strides = array<i32>} : memref<128x64xf32, #tpu.memory_space<vmem>>, vector<16xf32>,
      tpu.vector_store %arg12[%swap3A_408, %swap3A_409], %scan3A_397#3 {strides = array<i32>} : memref<128x64xf32, #tpu.memory_space<vmem>>, vector<16xf32>,
      %mul3A_411 = arith.constant 3 : i32
      %mul3A_412 = arith.muli %scan3A_258, %mul3A_411 : i32
      %add3A_413 = arith.constant 2 : i32
      %add3A_414 = arith.addi %mul3A_412, %add3A_413 : i32
      %dma_wait3A_415 = arith.constant 0 : i32
      %dma_wait3A_416 = arith.constant 2 : i32
      %dma_wait3A_417 = arith.constant 0 : i32
      %dma_wait3A_418 = arith.constant 0 : i32
      %dma_wait3A_419 = tpu.memref_slice %arg11[%dma_wait3A_416, %dma_wait3A_417, %dma_wait3A_418] : memref<3x200x128xf32, #tpu.memory_space<vmem>> -> memref<1x104x128xf32, #tpu.memory_space<vmem>>
      %dma_wait3A_420 = tpu.memref_squeeze %dma_wait3A_419 : memref<1x104x128xf32, #tpu.memory_space<vmem>> -> memref<104x128xf32, #tpu.memory_space<vmem>>
      %dma_wait3A_421 = arith.constant 0 : i32
      %dma_wait3A_422 = tpu.memref_slice %arg10[%dma_wait3A_415, %dma_wait3A_421] : memref<128x200xi32, #tpu.memory_space<vmem>> -> memref<1x104xi32, #tpu.memory_space<vmem>>
      %dma_wait3A_423 = tpu.memref_squeeze %dma_wait3A_422 : memref<1x104xi32, #tpu.memory_space<vmem>> -> memref<104xi32, #tpu.memory_space<vmem>>
      %dma_wait3A_424 = arith.constant 0 : i32
      %dma_wait3A_425 = arith.constant 0 : i32
      %dma_wait3A_426 = tpu.memref_slice %arg4[%dma_wait3A_424, %dma_wait3A_425] : memref<1000000x128xf32, #tpu.memory_space<hbm>> -> memref<1000000x128xf32, #tpu.memory_space<hbm>>
      tpu.wait_indirect_dma semaphore(%arg18 : memref<!tpu.dma_semaphore, #tpu.memory_space<semaphore_mem>>) src(%dma_wait3A_426 : memref<1000000x128xf32, #tpu.memory_space<hbm>>) dst(%dma_wait3A_420 : memref<104x128xf32, #tpu.memory_space<vmem>>)
      %dma_wait3A_427 = arith.constant 0 : i32
      %dma_wait3A_428 = arith.constant 2 : i32
      %dma_wait3A_429 = arith.constant 104 : i32
      %dma_wait3A_430 = arith.constant 0 : i32
      %dma_wait3A_431 = tpu.memref_slice %arg11[%dma_wait3A_428, %dma_wait3A_429, %dma_wait3A_430] : memref<3x200x128xf32, #tpu.memory_space<vmem>> -> memref<1x96x128xf32, #tpu.memory_space<vmem>>
      %dma_wait3A_432 = tpu.memref_squeeze %dma_wait3A_431 : memref<1x96x128xf32, #tpu.memory_space<vmem>> -> memref<96x128xf32, #tpu.memory_space<vmem>>
      %dma_wait3A_433 = arith.constant 104 : i32
      %dma_wait3A_434 = tpu.memref_slice %arg10[%dma_wait3A_427, %dma_wait3A_433] : memref<128x200xi32, #tpu.memory_space<vmem>> -> memref<1x96xi32, #tpu.memory_space<vmem>>
      %dma_wait3A_435 = tpu.memref_squeeze %dma_wait3A_434 : memref<1x96xi32, #tpu.memory_space<vmem>> -> memref<96xi32, #tpu.memory_space<vmem>>
      %dma_wait3A_436 = arith.constant 0 : i32
      %dma_wait3A_437 = arith.constant 0 : i32
      %dma_wait3A_438 = tpu.memref_slice %arg4[%dma_wait3A_436, %dma_wait3A_437] : memref<1000000x128xf32, #tpu.memory_space<hbm>> -> memref<1000000x128xf32, #tpu.memory_space<hbm>>
      tpu.wait_indirect_dma semaphore(%arg18 : memref<!tpu.dma_semaphore, #tpu.memory_space<semaphore_mem>>) src(%dma_wait3A_438 : memref<1000000x128xf32, #tpu.memory_space<hbm>>) dst(%dma_wait3A_432 : memref<96x128xf32, #tpu.memory_space<vmem>>)
      %add3A_439 = arith.addi %mul3A_2, %add3A_414 : i32
      %dma_start3A_440 = arith.constant 2 : i32
      %dma_start3A_441 = arith.constant 0 : i32
      %dma_start3A_442 = arith.constant 0 : i32
      %dma_start3A_443 = tpu.memref_slice %arg11[%dma_start3A_440, %dma_start3A_441, %dma_start3A_442] : memref<3x200x128xf32, #tpu.memory_space<vmem>> -> memref<1x200x128xf32, #tpu.memory_space<vmem>>
      %dma_start3A_444 = tpu.memref_squeeze %dma_start3A_443 : memref<1x200x128xf32, #tpu.memory_space<vmem>> -> memref<200x128xf32, #tpu.memory_space<vmem>>
      %dma_start3A_445 = arith.constant 0 : i32
      %dma_start3A_446 = arith.constant 0 : i32
      %dma_start3A_447 = tpu.memref_slice %arg6[%add3A_439, %dma_start3A_445, %dma_start3A_446] : memref<4096x200x128xf32, #tpu.memory_space<hbm>> -> memref<1x200x128xf32, #tpu.memory_space<hbm>>
      %dma_start3A_448 = tpu.memref_squeeze %dma_start3A_447 : memref<1x200x128xf32, #tpu.memory_space<hbm>> -> memref<200x128xf32, #tpu.memory_space<hbm>>
      %dma_start3A_449 = arith.constant 0 : i32
      %dma_start3A_450 = arith.constant 0 : i32
      %dma_start3A_451 = tpu.memref_slice %arg6[%add3A_439, %dma_start3A_449, %dma_start3A_450] : memref<4096x200x128xf32, #tpu.memory_space<hbm>> -> memref<1x200x128xf32, #tpu.memory_space<hbm>>
      %dma_start3A_452 = tpu.memref_squeeze %dma_start3A_451 : memref<1x200x128xf32, #tpu.memory_space<hbm>> -> memref<200x128xf32, #tpu.memory_space<hbm>>
      %dma_start3A_453 = arith.constant 0 : i32
      %dma_start3A_454 = arith.constant 0 : i32
      %dma_start3A_455 = tpu.memref_slice %arg11[%dma_start3A_440, %dma_start3A_453, %dma_start3A_454] : memref<3x200x128xf32, #tpu.memory_space<vmem>> -> memref<1x200x128xf32, #tpu.memory_space<vmem>>
      %dma_start3A_456 = tpu.memref_squeeze %dma_start3A_455 : memref<1x200x128xf32, #tpu.memory_space<vmem>> -> memref<200x128xf32, #tpu.memory_space<vmem>>
      tpu.enqueue_dma source(%dma_start3A_456 : memref<200x128xf32, #tpu.memory_space<vmem>>) target(%dma_start3A_452 : memref<200x128xf32, #tpu.memory_space<hbm>>) target_semaphore(%arg21 : memref<!tpu.dma_semaphore, #tpu.memory_space<semaphore_mem>>)
      %ge3A_457 = arith.constant 1 : i32
      %ge3A_458 = arith.cmpi sge, %add3A_414, %ge3A_457 : i32
      %convert_element_type3A_459 = arith.extui %ge3A_458 : i1 to i32
      %cond3A_460 = arith.constant 0 : i32
      %cond3A_461 = arith.cmpi ne, %convert_element_type3A_459, %cond3A_460 : i32
      scf.if %cond3A_461 {
        %dma_wait3A_489 = arith.constant 1 : i32
        %dma_wait3A_490 = arith.constant 0 : i32
        %dma_wait3A_491 = arith.constant 0 : i32
        %dma_wait3A_492 = arith.constant 0 : i32
        %dma_wait3A_493 = tpu.memref_slice %arg11[%dma_wait3A_489, %dma_wait3A_491, %dma_wait3A_492] : memref<3x200x128xf32, #tpu.memory_space<vmem>> -> memref<1x200x128xf32, #tpu.memory_space<vmem>>
        %dma_wait3A_494 = tpu.memref_squeeze %dma_wait3A_493 : memref<1x200x128xf32, #tpu.memory_space<vmem>> -> memref<200x128xf32, #tpu.memory_space<vmem>>
        %dma_wait3A_495 = arith.constant 0 : i32
        %dma_wait3A_496 = arith.constant 0 : i32
        %dma_wait3A_497 = tpu.memref_slice %arg6[%dma_wait3A_490, %dma_wait3A_495, %dma_wait3A_496] : memref<4096x200x128xf32, #tpu.memory_space<hbm>> -> memref<1x200x128xf32, #tpu.memory_space<hbm>>
        %dma_wait3A_498 = tpu.memref_squeeze %dma_wait3A_497 : memref<1x200x128xf32, #tpu.memory_space<hbm>> -> memref<200x128xf32, #tpu.memory_space<hbm>>
        %dma_wait3A_499 = arith.constant 0 : i32
        %dma_wait3A_500 = arith.constant 0 : i32
        %dma_wait3A_501 = tpu.memref_slice %arg6[%dma_wait3A_490, %dma_wait3A_499, %dma_wait3A_500] : memref<4096x200x128xf32, #tpu.memory_space<hbm>> -> memref<1x200x128xf32, #tpu.memory_space<hbm>>
        %dma_wait3A_502 = tpu.memref_squeeze %dma_wait3A_501 : memref<1x200x128xf32, #tpu.memory_space<hbm>> -> memref<200x128xf32, #tpu.memory_space<hbm>>
        %dma_wait3A_503 = arith.constant 0 : i32
        %dma_wait3A_504 = arith.constant 0 : i32
        %dma_wait3A_505 = tpu.memref_slice %arg11[%dma_wait3A_489, %dma_wait3A_503, %dma_wait3A_504] : memref<3x200x128xf32, #tpu.memory_space<vmem>> -> memref<1x200x128xf32, #tpu.memory_space<vmem>>
        %dma_wait3A_506 = tpu.memref_squeeze %dma_wait3A_505 : memref<1x200x128xf32, #tpu.memory_space<vmem>> -> memref<200x128xf32, #tpu.memory_space<vmem>>
        tpu.wait_dma2 semaphore(%arg20 : memref<!tpu.dma_semaphore, #tpu.memory_space<semaphore_mem>>) src(%dma_wait3A_506 : memref<200x128xf32, #tpu.memory_space<vmem>>) dst(%dma_wait3A_502 : memref<200x128xf32, #tpu.memory_space<hbm>>)
      } else {
      }
      %add3A_462 = arith.constant 2 : i32
      %add3A_463 = arith.addi %add3A_414, %add3A_462 : i32
      %lt3A_464 = arith.constant 128 : i32
      %lt3A_465 = arith.cmpi slt, %add3A_463, %lt3A_464 : i32
      %convert_element_type3A_466 = arith.extui %lt3A_465 : i1 to i32
      %cond3A_467 = arith.constant 0 : i32
      %cond3A_468 = arith.cmpi ne, %convert_element_type3A_466, %cond3A_467 : i32
      scf.if %cond3A_468 {
        %add3A_489 = arith.constant 2 : i32
        %add3A_490 = arith.addi %add3A_414, %add3A_489 : i32
        %dma_start3A_491 = arith.constant 1 : i32
        %dma_start3A_492 = arith.constant 0 : i32
        %dma_start3A_493 = arith.constant 0 : i32
        %dma_start3A_494 = tpu.memref_slice %arg11[%dma_start3A_491, %dma_start3A_492, %dma_start3A_493] : memref<3x200x128xf32, #tpu.memory_space<vmem>> -> memref<1x104x128xf32, #tpu.memory_space<vmem>>
        %dma_start3A_495 = tpu.memref_squeeze %dma_start3A_494 : memref<1x104x128xf32, #tpu.memory_space<vmem>> -> memref<104x128xf32, #tpu.memory_space<vmem>>
        %dma_start3A_496 = arith.constant 0 : i32
        %dma_start3A_497 = tpu.memref_slice %arg10[%add3A_490, %dma_start3A_496] : memref<128x200xi32, #tpu.memory_space<vmem>> -> memref<1x104xi32, #tpu.memory_space<vmem>>
        %dma_start3A_498 = tpu.memref_squeeze %dma_start3A_497 : memref<1x104xi32, #tpu.memory_space<vmem>> -> memref<104xi32, #tpu.memory_space<vmem>>
        %dma_start3A_499 = arith.constant 0 : i32
        %dma_start3A_500 = arith.constant 0 : i32
        %dma_start3A_501 = tpu.memref_slice %arg4[%dma_start3A_499, %dma_start3A_500] : memref<1000000x128xf32, #tpu.memory_space<hbm>> -> memref<1000000x128xf32, #tpu.memory_space<hbm>>
        tpu.enqueue_indirect_dma source(%dma_start3A_501 : memref<1000000x128xf32, #tpu.memory_space<hbm>>) target(%dma_start3A_495 : memref<104x128xf32, #tpu.memory_space<vmem>>) offsets(%dma_start3A_498 : memref<104xi32, #tpu.memory_space<vmem>>) semaphore(%arg17 : memref<!tpu.dma_semaphore, #tpu.memory_space<semaphore_mem>>)
        %dma_start3A_502 = arith.constant 1 : i32
        %dma_start3A_503 = arith.constant 104 : i32
        %dma_start3A_504 = arith.constant 0 : i32
        %dma_start3A_505 = tpu.memref_slice %arg11[%dma_start3A_502, %dma_start3A_503, %dma_start3A_504] : memref<3x200x128xf32, #tpu.memory_space<vmem>> -> memref<1x96x128xf32, #tpu.memory_space<vmem>>
        %dma_start3A_506 = tpu.memref_squeeze %dma_start3A_505 : memref<1x96x128xf32, #tpu.memory_space<vmem>> -> memref<96x128xf32, #tpu.memory_space<vmem>>
        %dma_start3A_507 = arith.constant 104 : i32
        %dma_start3A_508 = tpu.memref_slice %arg10[%add3A_490, %dma_start3A_507] : memref<128x200xi32, #tpu.memory_space<vmem>> -> memref<1x96xi32, #tpu.memory_space<vmem>>
        %dma_start3A_509 = tpu.memref_squeeze %dma_start3A_508 : memref<1x96xi32, #tpu.memory_space<vmem>> -> memref<96xi32, #tpu.memory_space<vmem>>
        %dma_start3A_510 = arith.constant 0 : i32
        %dma_start3A_511 = arith.constant 0 : i32
        %dma_start3A_512 = tpu.memref_slice %arg4[%dma_start3A_510, %dma_start3A_511] : memref<1000000x128xf32, #tpu.memory_space<hbm>> -> memref<1000000x128xf32, #tpu.memory_space<hbm>>
        tpu.enqueue_indirect_dma source(%dma_start3A_512 : memref<1000000x128xf32, #tpu.memory_space<hbm>>) target(%dma_start3A_506 : memref<96x128xf32, #tpu.memory_space<vmem>>) offsets(%dma_start3A_509 : memref<96xi32, #tpu.memory_space<vmem>>) semaphore(%arg17 : memref<!tpu.dma_semaphore, #tpu.memory_space<semaphore_mem>>)
      } else {
      }
      %broadcast_in_dim3A_469 = arith.constant 0.000000e+00 : f32
      %broadcast_in_dim3A_470 = vector.broadcast %broadcast_in_dim3A_469 : f32 to vector<16xf32>
      %scan3A_471 = arith.constant 0 : i32
      %scan3A_472 = arith.constant 200 : i32
      %scan3A_473 = arith.addi %scan3A_471, %scan3A_472 : i32
      %scan3A_474 = arith.constant 4 : i32
      %scan3A_475:4 = scf.for %scan3A_489 = %scan3A_471 to %scan3A_473 step %scan3A_474 iter_args(%scan3A_490 = %broadcast_in_dim3A_470, %scan3A_491 = %broadcast_in_dim3A_470, %scan3A_492 = %broadcast_in_dim3A_470, %scan3A_493 = %broadcast_in_dim3A_470) -> (vector<16xf32>, vector<16xf32>, vector<16xf32>, vector<16xf32>)  : i32 {
        %get3A = arith.constant 2 : i32
        %get3A_494 = arith.index_cast %get3A : i32 to index
        %get3A_495 = arith.index_cast %scan3A_489 : i32 to index
        %get3A_496 = arith.constant 0 : index
        %get3A_497 = tpu.vector_load %arg11[%get3A_494, %get3A_495, %get3A_496] {strides = array<i32>} : memref<3x200x128xf32, #tpu.memory_space<vmem>>, vector<16xf32>,
        %add3A_498 = arith.addf %scan3A_490, %get3A_497 : vector<16xf32>
        %get3A_499 = arith.constant 2 : i32
        %get3A_500 = arith.index_cast %get3A_499 : i32 to index
        %get3A_501 = arith.index_cast %scan3A_489 : i32 to index
        %get3A_502 = arith.constant 16 : index
        %get3A_503 = tpu.vector_load %arg11[%get3A_500, %get3A_501, %get3A_502] {strides = array<i32>} : memref<3x200x128xf32, #tpu.memory_space<vmem>>, vector<16xf32>,
        %add3A_504 = arith.addf %scan3A_491, %get3A_503 : vector<16xf32>
        %get3A_505 = arith.constant 2 : i32
        %get3A_506 = arith.index_cast %get3A_505 : i32 to index
        %get3A_507 = arith.index_cast %scan3A_489 : i32 to index
        %get3A_508 = arith.constant 32 : index
        %get3A_509 = tpu.vector_load %arg11[%get3A_506, %get3A_507, %get3A_508] {strides = array<i32>} : memref<3x200x128xf32, #tpu.memory_space<vmem>>, vector<16xf32>,
        %add3A_510 = arith.addf %scan3A_492, %get3A_509 : vector<16xf32>
        %get3A_511 = arith.constant 2 : i32
        %get3A_512 = arith.index_cast %get3A_511 : i32 to index
        %get3A_513 = arith.index_cast %scan3A_489 : i32 to index
        %get3A_514 = arith.constant 48 : index
        %get3A_515 = tpu.vector_load %arg11[%get3A_512, %get3A_513, %get3A_514] {strides = array<i32>} : memref<3x200x128xf32, #tpu.memory_space<vmem>>, vector<16xf32>,
        %add3A_516 = arith.addf %scan3A_493, %get3A_515 : vector<16xf32>
        %scan3A_517 = arith.constant 1 : i32
        %scan3A_518 = arith.addi %scan3A_489, %scan3A_517 : i32
        %get3A_519 = arith.constant 2 : i32
        %get3A_520 = arith.index_cast %get3A_519 : i32 to index
        %get3A_521 = arith.index_cast %scan3A_518 : i32 to index
        %get3A_522 = arith.constant 0 : index
        %get3A_523 = tpu.vector_load %arg11[%get3A_520, %get3A_521, %get3A_522] {strides = array<i32>} : memref<3x200x128xf32, #tpu.memory_space<vmem>>, vector<16xf32>,
        %add3A_524 = arith.addf %add3A_498, %get3A_523 : vector<16xf32>
        %get3A_525 = arith.constant 2 : i32
        %get3A_526 = arith.index_cast %get3A_525 : i32 to index
        %get3A_527 = arith.index_cast %scan3A_518 : i32 to index
        %get3A_528 = arith.constant 16 : index
        %get3A_529 = tpu.vector_load %arg11[%get3A_526, %get3A_527, %get3A_528] {strides = array<i32>} : memref<3x200x128xf32, #tpu.memory_space<vmem>>, vector<16xf32>,
        %add3A_530 = arith.addf %add3A_504, %get3A_529 : vector<16xf32>
        %get3A_531 = arith.constant 2 : i32
        %get3A_532 = arith.index_cast %get3A_531 : i32 to index
        %get3A_533 = arith.index_cast %scan3A_518 : i32 to index
        %get3A_534 = arith.constant 32 : index
        %get3A_535 = tpu.vector_load %arg11[%get3A_532, %get3A_533, %get3A_534] {strides = array<i32>} : memref<3x200x128xf32, #tpu.memory_space<vmem>>, vector<16xf32>,
        %add3A_536 = arith.addf %add3A_510, %get3A_535 : vector<16xf32>
        %get3A_537 = arith.constant 2 : i32
        %get3A_538 = arith.index_cast %get3A_537 : i32 to index
        %get3A_539 = arith.index_cast %scan3A_518 : i32 to index
        %get3A_540 = arith.constant 48 : index
        %get3A_541 = tpu.vector_load %arg11[%get3A_538, %get3A_539, %get3A_540] {strides = array<i32>} : memref<3x200x128xf32, #tpu.memory_space<vmem>>, vector<16xf32>,
        %add3A_542 = arith.addf %add3A_516, %get3A_541 : vector<16xf32>
        %scan3A_543 = arith.constant 2 : i32
        %scan3A_544 = arith.addi %scan3A_489, %scan3A_543 : i32
        %get3A_545 = arith.constant 2 : i32
        %get3A_546 = arith.index_cast %get3A_545 : i32 to index
        %get3A_547 = arith.index_cast %scan3A_544 : i32 to index
        %get3A_548 = arith.constant 0 : index
        %get3A_549 = tpu.vector_load %arg11[%get3A_546, %get3A_547, %get3A_548] {strides = array<i32>} : memref<3x200x128xf32, #tpu.memory_space<vmem>>, vector<16xf32>,
        %add3A_550 = arith.addf %add3A_524, %get3A_549 : vector<16xf32>
        %get3A_551 = arith.constant 2 : i32
        %get3A_552 = arith.index_cast %get3A_551 : i32 to index
        %get3A_553 = arith.index_cast %scan3A_544 : i32 to index
        %get3A_554 = arith.constant 16 : index
        %get3A_555 = tpu.vector_load %arg11[%get3A_552, %get3A_553, %get3A_554] {strides = array<i32>} : memref<3x200x128xf32, #tpu.memory_space<vmem>>, vector<16xf32>,
        %add3A_556 = arith.addf %add3A_530, %get3A_555 : vector<16xf32>
        %get3A_557 = arith.constant 2 : i32
        %get3A_558 = arith.index_cast %get3A_557 : i32 to index
        %get3A_559 = arith.index_cast %scan3A_544 : i32 to index
        %get3A_560 = arith.constant 32 : index
        %get3A_561 = tpu.vector_load %arg11[%get3A_558, %get3A_559, %get3A_560] {strides = array<i32>} : memref<3x200x128xf32, #tpu.memory_space<vmem>>, vector<16xf32>,
        %add3A_562 = arith.addf %add3A_536, %get3A_561 : vector<16xf32>
        %get3A_563 = arith.constant 2 : i32
        %get3A_564 = arith.index_cast %get3A_563 : i32 to index
        %get3A_565 = arith.index_cast %scan3A_544 : i32 to index
        %get3A_566 = arith.constant 48 : index
        %get3A_567 = tpu.vector_load %arg11[%get3A_564, %get3A_565, %get3A_566] {strides = array<i32>} : memref<3x200x128xf32, #tpu.memory_space<vmem>>, vector<16xf32>,
        %add3A_568 = arith.addf %add3A_542, %get3A_567 : vector<16xf32>
        %scan3A_569 = arith.constant 3 : i32
        %scan3A_570 = arith.addi %scan3A_489, %scan3A_569 : i32
        %get3A_571 = arith.constant 2 : i32
        %get3A_572 = arith.index_cast %get3A_571 : i32 to index
        %get3A_573 = arith.index_cast %scan3A_570 : i32 to index
        %get3A_574 = arith.constant 0 : index
        %get3A_575 = tpu.vector_load %arg11[%get3A_572, %get3A_573, %get3A_574] {strides = array<i32>} : memref<3x200x128xf32, #tpu.memory_space<vmem>>, vector<16xf32>,
        %add3A_576 = arith.addf %add3A_550, %get3A_575 : vector<16xf32>
        %get3A_577 = arith.constant 2 : i32
        %get3A_578 = arith.index_cast %get3A_577 : i32 to index
        %get3A_579 = arith.index_cast %scan3A_570 : i32 to index
        %get3A_580 = arith.constant 16 : index
        %get3A_581 = tpu.vector_load %arg11[%get3A_578, %get3A_579, %get3A_580] {strides = array<i32>} : memref<3x200x128xf32, #tpu.memory_space<vmem>>, vector<16xf32>,
        %add3A_582 = arith.addf %add3A_556, %get3A_581 : vector<16xf32>
        %get3A_583 = arith.constant 2 : i32
        %get3A_584 = arith.index_cast %get3A_583 : i32 to index
        %get3A_585 = arith.index_cast %scan3A_570 : i32 to index
        %get3A_586 = arith.constant 32 : index
        %get3A_587 = tpu.vector_load %arg11[%get3A_584, %get3A_585, %get3A_586] {strides = array<i32>} : memref<3x200x128xf32, #tpu.memory_space<vmem>>, vector<16xf32>,
        %add3A_588 = arith.addf %add3A_562, %get3A_587 : vector<16xf32>
        %get3A_589 = arith.constant 2 : i32
        %get3A_590 = arith.index_cast %get3A_589 : i32 to index
        %get3A_591 = arith.index_cast %scan3A_570 : i32 to index
        %get3A_592 = arith.constant 48 : index
        %get3A_593 = tpu.vector_load %arg11[%get3A_590, %get3A_591, %get3A_592] {strides = array<i32>} : memref<3x200x128xf32, #tpu.memory_space<vmem>>, vector<16xf32>,
        %add3A_594 = arith.addf %add3A_568, %get3A_593 : vector<16xf32>
        scf.yield %add3A_576, %add3A_582, %add3A_588, %add3A_594 : vector<16xf32>, vector<16xf32>, vector<16xf32>, vector<16xf32>
      }
      %scan3A_476 = arith.constant 200 : i32
      %swap3A_477 = arith.index_cast %add3A_414 : i32 to index
      %swap3A_478 = arith.constant 0 : index
      %swap3A_479 = tpu.vector_load %arg12[%swap3A_477, %swap3A_478] {strides = array<i32>} : memref<128x64xf32, #tpu.memory_space<vmem>>, vector<16xf32>,
      tpu.vector_store %arg12[%swap3A_477, %swap3A_478], %scan3A_475#0 {strides = array<i32>} : memref<128x64xf32, #tpu.memory_space<vmem>>, vector<16xf32>,
      %swap3A_480 = arith.index_cast %add3A_414 : i32 to index
      %swap3A_481 = arith.constant 16 : index
      %swap3A_482 = tpu.vector_load %arg12[%swap3A_480, %swap3A_481] {strides = array<i32>} : memref<128x64xf32, #tpu.memory_space<vmem>>, vector<16xf32>,
      tpu.vector_store %arg12[%swap3A_480, %swap3A_481], %scan3A_475#1 {strides = array<i32>} : memref<128x64xf32, #tpu.memory_space<vmem>>, vector<16xf32>,
      %swap3A_483 = arith.index_cast %add3A_414 : i32 to index
      %swap3A_484 = arith.constant 32 : index
      %swap3A_485 = tpu.vector_load %arg12[%swap3A_483, %swap3A_484] {strides = array<i32>} : memref<128x64xf32, #tpu.memory_space<vmem>>, vector<16xf32>,
      tpu.vector_store %arg12[%swap3A_483, %swap3A_484], %scan3A_475#2 {strides = array<i32>} : memref<128x64xf32, #tpu.memory_space<vmem>>, vector<16xf32>,
      %swap3A_486 = arith.index_cast %add3A_414 : i32 to index
      %swap3A_487 = arith.constant 48 : index
      %swap3A_488 = tpu.vector_load %arg12[%swap3A_486, %swap3A_487] {strides = array<i32>} : memref<128x64xf32, #tpu.memory_space<vmem>>, vector<16xf32>,
      tpu.vector_store %arg12[%swap3A_486, %swap3A_487], %scan3A_475#3 {strides = array<i32>} : memref<128x64xf32, #tpu.memory_space<vmem>>, vector<16xf32>,
    }
    %scan3A_71 = arith.constant 42 : i32
    %dma_wait3A_72 = arith.constant 0 : i32
    %dma_wait3A_73 = arith.constant 0 : i32
    %dma_wait3A_74 = arith.constant 0 : i32
    %dma_wait3A_75 = arith.constant 0 : i32
    %dma_wait3A_76 = tpu.memref_slice %arg11[%dma_wait3A_73, %dma_wait3A_74, %dma_wait3A_75] : memref<3x200x128xf32, #tpu.memory_space<vmem>> -> memref<1x104x128xf32, #tpu.memory_space<vmem>>
    %dma_wait3A_77 = tpu.memref_squeeze %dma_wait3A_76 : memref<1x104x128xf32, #tpu.memory_space<vmem>> -> memref<104x128xf32, #tpu.memory_space<vmem>>
    %dma_wait3A_78 = arith.constant 0 : i32
    %dma_wait3A_79 = tpu.memref_slice %arg10[%dma_wait3A_72, %dma_wait3A_78] : memref<128x200xi32, #tpu.memory_space<vmem>> -> memref<1x104xi32, #tpu.memory_space<vmem>>
    %dma_wait3A_80 = tpu.memref_squeeze %dma_wait3A_79 : memref<1x104xi32, #tpu.memory_space<vmem>> -> memref<104xi32, #tpu.memory_space<vmem>>
    %dma_wait3A_81 = arith.constant 0 : i32
    %dma_wait3A_82 = arith.constant 0 : i32
    %dma_wait3A_83 = tpu.memref_slice %arg4[%dma_wait3A_81, %dma_wait3A_82] : memref<1000000x128xf32, #tpu.memory_space<hbm>> -> memref<1000000x128xf32, #tpu.memory_space<hbm>>
    tpu.wait_indirect_dma semaphore(%arg16 : memref<!tpu.dma_semaphore, #tpu.memory_space<semaphore_mem>>) src(%dma_wait3A_83 : memref<1000000x128xf32, #tpu.memory_space<hbm>>) dst(%dma_wait3A_77 : memref<104x128xf32, #tpu.memory_space<vmem>>)
    %dma_wait3A_84 = arith.constant 0 : i32
    %dma_wait3A_85 = arith.constant 0 : i32
    %dma_wait3A_86 = arith.constant 104 : i32
    %dma_wait3A_87 = arith.constant 0 : i32
    %dma_wait3A_88 = tpu.memref_slice %arg11[%dma_wait3A_85, %dma_wait3A_86, %dma_wait3A_87] : memref<3x200x128xf32, #tpu.memory_space<vmem>> -> memref<1x96x128xf32, #tpu.memory_space<vmem>>
    %dma_wait3A_89 = tpu.memref_squeeze %dma_wait3A_88 : memref<1x96x128xf32, #tpu.memory_space<vmem>> -> memref<96x128xf32, #tpu.memory_space<vmem>>
    %dma_wait3A_90 = arith.constant 104 : i32
    %dma_wait3A_91 = tpu.memref_slice %arg10[%dma_wait3A_84, %dma_wait3A_90] : memref<128x200xi32, #tpu.memory_space<vmem>> -> memref<1x96xi32, #tpu.memory_space<vmem>>
    %dma_wait3A_92 = tpu.memref_squeeze %dma_wait3A_91 : memref<1x96xi32, #tpu.memory_space<vmem>> -> memref<96xi32, #tpu.memory_space<vmem>>
    %dma_wait3A_93 = arith.constant 0 : i32
    %dma_wait3A_94 = arith.constant 0 : i32
    %dma_wait3A_95 = tpu.memref_slice %arg4[%dma_wait3A_93, %dma_wait3A_94] : memref<1000000x128xf32, #tpu.memory_space<hbm>> -> memref<1000000x128xf32, #tpu.memory_space<hbm>>
    tpu.wait_indirect_dma semaphore(%arg16 : memref<!tpu.dma_semaphore, #tpu.memory_space<semaphore_mem>>) src(%dma_wait3A_95 : memref<1000000x128xf32, #tpu.memory_space<hbm>>) dst(%dma_wait3A_89 : memref<96x128xf32, #tpu.memory_space<vmem>>)
    %add3A_96 = arith.constant 126 : i32
    %add3A_97 = arith.addi %mul3A_2, %add3A_96 : i32
    %dma_start3A_98 = arith.constant 0 : i32
    %dma_start3A_99 = arith.constant 0 : i32
    %dma_start3A_100 = arith.constant 0 : i32
    %dma_start3A_101 = tpu.memref_slice %arg11[%dma_start3A_98, %dma_start3A_99, %dma_start3A_100] : memref<3x200x128xf32, #tpu.memory_space<vmem>> -> memref<1x200x128xf32, #tpu.memory_space<vmem>>
    %dma_start3A_102 = tpu.memref_squeeze %dma_start3A_101 : memref<1x200x128xf32, #tpu.memory_space<vmem>> -> memref<200x128xf32, #tpu.memory_space<vmem>>
    %dma_start3A_103 = arith.constant 0 : i32
    %dma_start3A_104 = arith.constant 0 : i32
    %dma_start3A_105 = tpu.memref_slice %arg6[%add3A_97, %dma_start3A_103, %dma_start3A_104] : memref<4096x200x128xf32, #tpu.memory_space<hbm>> -> memref<1x200x128xf32, #tpu.memory_space<hbm>>
    %dma_start3A_106 = tpu.memref_squeeze %dma_start3A_105 : memref<1x200x128xf32, #tpu.memory_space<hbm>> -> memref<200x128xf32, #tpu.memory_space<hbm>>
    %dma_start3A_107 = arith.constant 0 : i32
    %dma_start3A_108 = arith.constant 0 : i32
    %dma_start3A_109 = tpu.memref_slice %arg6[%add3A_97, %dma_start3A_107, %dma_start3A_108] : memref<4096x200x128xf32, #tpu.memory_space<hbm>> -> memref<1x200x128xf32, #tpu.memory_space<hbm>>
    %dma_start3A_110 = tpu.memref_squeeze %dma_start3A_109 : memref<1x200x128xf32, #tpu.memory_space<hbm>> -> memref<200x128xf32, #tpu.memory_space<hbm>>
    %dma_start3A_111 = arith.constant 0 : i32
    %dma_start3A_112 = arith.constant 0 : i32
    %dma_start3A_113 = tpu.memref_slice %arg11[%dma_start3A_98, %dma_start3A_111, %dma_start3A_112] : memref<3x200x128xf32, #tpu.memory_space<vmem>> -> memref<1x200x128xf32, #tpu.memory_space<vmem>>
    %dma_start3A_114 = tpu.memref_squeeze %dma_start3A_113 : memref<1x200x128xf32, #tpu.memory_space<vmem>> -> memref<200x128xf32, #tpu.memory_space<vmem>>
    tpu.enqueue_dma source(%dma_start3A_114 : memref<200x128xf32, #tpu.memory_space<vmem>>) target(%dma_start3A_110 : memref<200x128xf32, #tpu.memory_space<hbm>>) target_semaphore(%arg19 : memref<!tpu.dma_semaphore, #tpu.memory_space<semaphore_mem>>)
    %dma_wait3A_115 = arith.constant 2 : i32
    %dma_wait3A_116 = arith.constant 0 : i32
    %dma_wait3A_117 = arith.constant 0 : i32
    %dma_wait3A_118 = arith.constant 0 : i32
    %dma_wait3A_119 = tpu.memref_slice %arg11[%dma_wait3A_115, %dma_wait3A_117, %dma_wait3A_118] : memref<3x200x128xf32, #tpu.memory_space<vmem>> -> memref<1x200x128xf32, #tpu.memory_space<vmem>>
    %dma_wait3A_120 = tpu.memref_squeeze %dma_wait3A_119 : memref<1x200x128xf32, #tpu.memory_space<vmem>> -> memref<200x128xf32, #tpu.memory_space<vmem>>
    %dma_wait3A_121 = arith.constant 0 : i32
    %dma_wait3A_122 = arith.constant 0 : i32
    %dma_wait3A_123 = tpu.memref_slice %arg6[%dma_wait3A_116, %dma_wait3A_121, %dma_wait3A_122] : memref<4096x200x128xf32, #tpu.memory_space<hbm>> -> memref<1x200x128xf32, #tpu.memory_space<hbm>>
    %dma_wait3A_124 = tpu.memref_squeeze %dma_wait3A_123 : memref<1x200x128xf32, #tpu.memory_space<hbm>> -> memref<200x128xf32, #tpu.memory_space<hbm>>
    %dma_wait3A_125 = arith.constant 0 : i32
    %dma_wait3A_126 = arith.constant 0 : i32
    %dma_wait3A_127 = tpu.memref_slice %arg6[%dma_wait3A_116, %dma_wait3A_125, %dma_wait3A_126] : memref<4096x200x128xf32, #tpu.memory_space<hbm>> -> memref<1x200x128xf32, #tpu.memory_space<hbm>>
    %dma_wait3A_128 = tpu.memref_squeeze %dma_wait3A_127 : memref<1x200x128xf32, #tpu.memory_space<hbm>> -> memref<200x128xf32, #tpu.memory_space<hbm>>
    %dma_wait3A_129 = arith.constant 0 : i32
    %dma_wait3A_130 = arith.constant 0 : i32
    %dma_wait3A_131 = tpu.memref_slice %arg11[%dma_wait3A_115, %dma_wait3A_129, %dma_wait3A_130] : memref<3x200x128xf32, #tpu.memory_space<vmem>> -> memref<1x200x128xf32, #tpu.memory_space<vmem>>
    %dma_wait3A_132 = tpu.memref_squeeze %dma_wait3A_131 : memref<1x200x128xf32, #tpu.memory_space<vmem>> -> memref<200x128xf32, #tpu.memory_space<vmem>>
    tpu.wait_dma2 semaphore(%arg21 : memref<!tpu.dma_semaphore, #tpu.memory_space<semaphore_mem>>) src(%dma_wait3A_132 : memref<200x128xf32, #tpu.memory_space<vmem>>) dst(%dma_wait3A_128 : memref<200x128xf32, #tpu.memory_space<hbm>>)
    %broadcast_in_dim3A = arith.constant 0.000000e+00 : f32
    %broadcast_in_dim3A_133 = vector.broadcast %broadcast_in_dim3A : f32 to vector<16xf32>
    %scan3A_134 = arith.constant 0 : i32
    %scan3A_135 = arith.constant 200 : i32
    %scan3A_136 = arith.addi %scan3A_134, %scan3A_135 : i32
    %scan3A_137 = arith.constant 4 : i32
    %scan3A_138:4 = scf.for %scan3A_258 = %scan3A_134 to %scan3A_136 step %scan3A_137 iter_args(%scan3A_259 = %broadcast_in_dim3A_133, %scan3A_260 = %broadcast_in_dim3A_133, %scan3A_261 = %broadcast_in_dim3A_133, %scan3A_262 = %broadcast_in_dim3A_133) -> (vector<16xf32>, vector<16xf32>, vector<16xf32>, vector<16xf32>)  : i32 {
      %get3A = arith.constant 0 : i32
      %get3A_263 = arith.index_cast %get3A : i32 to index
      %get3A_264 = arith.index_cast %scan3A_258 : i32 to index
      %get3A_265 = arith.constant 0 : index
      %get3A_266 = tpu.vector_load %arg11[%get3A_263, %get3A_264, %get3A_265] {strides = array<i32>} : memref<3x200x128xf32, #tpu.memory_space<vmem>>, vector<16xf32>,
      %add3A_267 = arith.addf %scan3A_259, %get3A_266 : vector<16xf32>
      %get3A_268 = arith.constant 0 : i32
      %get3A_269 = arith.index_cast %get3A_268 : i32 to index
      %get3A_270 = arith.index_cast %scan3A_258 : i32 to index
      %get3A_271 = arith.constant 16 : index
      %get3A_272 = tpu.vector_load %arg11[%get3A_269, %get3A_270, %get3A_271] {strides = array<i32>} : memref<3x200x128xf32, #tpu.memory_space<vmem>>, vector<16xf32>,
      %add3A_273 = arith.addf %scan3A_260, %get3A_272 : vector<16xf32>
      %get3A_274 = arith.constant 0 : i32
      %get3A_275 = arith.index_cast %get3A_274 : i32 to index
      %get3A_276 = arith.index_cast %scan3A_258 : i32 to index
      %get3A_277 = arith.constant 32 : index
      %get3A_278 = tpu.vector_load %arg11[%get3A_275, %get3A_276, %get3A_277] {strides = array<i32>} : memref<3x200x128xf32, #tpu.memory_space<vmem>>, vector<16xf32>,
      %add3A_279 = arith.addf %scan3A_261, %get3A_278 : vector<16xf32>
      %get3A_280 = arith.constant 0 : i32
      %get3A_281 = arith.index_cast %get3A_280 : i32 to index
      %get3A_282 = arith.index_cast %scan3A_258 : i32 to index
      %get3A_283 = arith.constant 48 : index
      %get3A_284 = tpu.vector_load %arg11[%get3A_281, %get3A_282, %get3A_283] {strides = array<i32>} : memref<3x200x128xf32, #tpu.memory_space<vmem>>, vector<16xf32>,
      %add3A_285 = arith.addf %scan3A_262, %get3A_284 : vector<16xf32>
      %scan3A_286 = arith.constant 1 : i32
      %scan3A_287 = arith.addi %scan3A_258, %scan3A_286 : i32
      %get3A_288 = arith.constant 0 : i32
      %get3A_289 = arith.index_cast %get3A_288 : i32 to index
      %get3A_290 = arith.index_cast %scan3A_287 : i32 to index
      %get3A_291 = arith.constant 0 : index
      %get3A_292 = tpu.vector_load %arg11[%get3A_289, %get3A_290, %get3A_291] {strides = array<i32>} : memref<3x200x128xf32, #tpu.memory_space<vmem>>, vector<16xf32>,
      %add3A_293 = arith.addf %add3A_267, %get3A_292 : vector<16xf32>
      %get3A_294 = arith.constant 0 : i32
      %get3A_295 = arith.index_cast %get3A_294 : i32 to index
      %get3A_296 = arith.index_cast %scan3A_287 : i32 to index
      %get3A_297 = arith.constant 16 : index
      %get3A_298 = tpu.vector_load %arg11[%get3A_295, %get3A_296, %get3A_297] {strides = array<i32>} : memref<3x200x128xf32, #tpu.memory_space<vmem>>, vector<16xf32>,
      %add3A_299 = arith.addf %add3A_273, %get3A_298 : vector<16xf32>
      %get3A_300 = arith.constant 0 : i32
      %get3A_301 = arith.index_cast %get3A_300 : i32 to index
      %get3A_302 = arith.index_cast %scan3A_287 : i32 to index
      %get3A_303 = arith.constant 32 : index
      %get3A_304 = tpu.vector_load %arg11[%get3A_301, %get3A_302, %get3A_303] {strides = array<i32>} : memref<3x200x128xf32, #tpu.memory_space<vmem>>, vector<16xf32>,
      %add3A_305 = arith.addf %add3A_279, %get3A_304 : vector<16xf32>
      %get3A_306 = arith.constant 0 : i32
      %get3A_307 = arith.index_cast %get3A_306 : i32 to index
      %get3A_308 = arith.index_cast %scan3A_287 : i32 to index
      %get3A_309 = arith.constant 48 : index
      %get3A_310 = tpu.vector_load %arg11[%get3A_307, %get3A_308, %get3A_309] {strides = array<i32>} : memref<3x200x128xf32, #tpu.memory_space<vmem>>, vector<16xf32>,
      %add3A_311 = arith.addf %add3A_285, %get3A_310 : vector<16xf32>
      %scan3A_312 = arith.constant 2 : i32
      %scan3A_313 = arith.addi %scan3A_258, %scan3A_312 : i32
      %get3A_314 = arith.constant 0 : i32
      %get3A_315 = arith.index_cast %get3A_314 : i32 to index
      %get3A_316 = arith.index_cast %scan3A_313 : i32 to index
      %get3A_317 = arith.constant 0 : index
      %get3A_318 = tpu.vector_load %arg11[%get3A_315, %get3A_316, %get3A_317] {strides = array<i32>} : memref<3x200x128xf32, #tpu.memory_space<vmem>>, vector<16xf32>,
      %add3A_319 = arith.addf %add3A_293, %get3A_318 : vector<16xf32>
      %get3A_320 = arith.constant 0 : i32
      %get3A_321 = arith.index_cast %get3A_320 : i32 to index
      %get3A_322 = arith.index_cast %scan3A_313 : i32 to index
      %get3A_323 = arith.constant 16 : index
      %get3A_324 = tpu.vector_load %arg11[%get3A_321, %get3A_322, %get3A_323] {strides = array<i32>} : memref<3x200x128xf32, #tpu.memory_space<vmem>>, vector<16xf32>,
      %add3A_325 = arith.addf %add3A_299, %get3A_324 : vector<16xf32>
      %get3A_326 = arith.constant 0 : i32
      %get3A_327 = arith.index_cast %get3A_326 : i32 to index
      %get3A_328 = arith.index_cast %scan3A_313 : i32 to index
      %get3A_329 = arith.constant 32 : index
      %get3A_330 = tpu.vector_load %arg11[%get3A_327, %get3A_328, %get3A_329] {strides = array<i32>} : memref<3x200x128xf32, #tpu.memory_space<vmem>>, vector<16xf32>,
      %add3A_331 = arith.addf %add3A_305, %get3A_330 : vector<16xf32>
      %get3A_332 = arith.constant 0 : i32
      %get3A_333 = arith.index_cast %get3A_332 : i32 to index
      %get3A_334 = arith.index_cast %scan3A_313 : i32 to index
      %get3A_335 = arith.constant 48 : index
      %get3A_336 = tpu.vector_load %arg11[%get3A_333, %get3A_334, %get3A_335] {strides = array<i32>} : memref<3x200x128xf32, #tpu.memory_space<vmem>>, vector<16xf32>,
      %add3A_337 = arith.addf %add3A_311, %get3A_336 : vector<16xf32>
      %scan3A_338 = arith.constant 3 : i32
      %scan3A_339 = arith.addi %scan3A_258, %scan3A_338 : i32
      %get3A_340 = arith.constant 0 : i32
      %get3A_341 = arith.index_cast %get3A_340 : i32 to index
      %get3A_342 = arith.index_cast %scan3A_339 : i32 to index
      %get3A_343 = arith.constant 0 : index
      %get3A_344 = tpu.vector_load %arg11[%get3A_341, %get3A_342, %get3A_343] {strides = array<i32>} : memref<3x200x128xf32, #tpu.memory_space<vmem>>, vector<16xf32>,
      %add3A_345 = arith.addf %add3A_319, %get3A_344 : vector<16xf32>
      %get3A_346 = arith.constant 0 : i32
      %get3A_347 = arith.index_cast %get3A_346 : i32 to index
      %get3A_348 = arith.index_cast %scan3A_339 : i32 to index
      %get3A_349 = arith.constant 16 : index
      %get3A_350 = tpu.vector_load %arg11[%get3A_347, %get3A_348, %get3A_349] {strides = array<i32>} : memref<3x200x128xf32, #tpu.memory_space<vmem>>, vector<16xf32>,
      %add3A_351 = arith.addf %add3A_325, %get3A_350 : vector<16xf32>
      %get3A_352 = arith.constant 0 : i32
      %get3A_353 = arith.index_cast %get3A_352 : i32 to index
      %get3A_354 = arith.index_cast %scan3A_339 : i32 to index
      %get3A_355 = arith.constant 32 : index
      %get3A_356 = tpu.vector_load %arg11[%get3A_353, %get3A_354, %get3A_355] {strides = array<i32>} : memref<3x200x128xf32, #tpu.memory_space<vmem>>, vector<16xf32>,
      %add3A_357 = arith.addf %add3A_331, %get3A_356 : vector<16xf32>
      %get3A_358 = arith.constant 0 : i32
      %get3A_359 = arith.index_cast %get3A_358 : i32 to index
      %get3A_360 = arith.index_cast %scan3A_339 : i32 to index
      %get3A_361 = arith.constant 48 : index
      %get3A_362 = tpu.vector_load %arg11[%get3A_359, %get3A_360, %get3A_361] {strides = array<i32>} : memref<3x200x128xf32, #tpu.memory_space<vmem>>, vector<16xf32>,
      %add3A_363 = arith.addf %add3A_337, %get3A_362 : vector<16xf32>
      scf.yield %add3A_345, %add3A_351, %add3A_357, %add3A_363 : vector<16xf32>, vector<16xf32>, vector<16xf32>, vector<16xf32>
    }
    %scan3A_139 = arith.constant 200 : i32
    %swap3A = arith.constant 126 : i32
    %swap3A_140 = arith.index_cast %swap3A : i32 to index
    %swap3A_141 = arith.constant 0 : index
    %swap3A_142 = tpu.vector_load %arg12[%swap3A_140, %swap3A_141] {strides = array<i32>} : memref<128x64xf32, #tpu.memory_space<vmem>>, vector<16xf32>,
    tpu.vector_store %arg12[%swap3A_140, %swap3A_141], %scan3A_138#0 {strides = array<i32>} : memref<128x64xf32, #tpu.memory_space<vmem>>, vector<16xf32>,
    %swap3A_143 = arith.constant 126 : i32
    %swap3A_144 = arith.index_cast %swap3A_143 : i32 to index
    %swap3A_145 = arith.constant 16 : index
    %swap3A_146 = tpu.vector_load %arg12[%swap3A_144, %swap3A_145] {strides = array<i32>} : memref<128x64xf32, #tpu.memory_space<vmem>>, vector<16xf32>,
    tpu.vector_store %arg12[%swap3A_144, %swap3A_145], %scan3A_138#1 {strides = array<i32>} : memref<128x64xf32, #tpu.memory_space<vmem>>, vector<16xf32>,
    %swap3A_147 = arith.constant 126 : i32
    %swap3A_148 = arith.index_cast %swap3A_147 : i32 to index
    %swap3A_149 = arith.constant 32 : index
    %swap3A_150 = tpu.vector_load %arg12[%swap3A_148, %swap3A_149] {strides = array<i32>} : memref<128x64xf32, #tpu.memory_space<vmem>>, vector<16xf32>,
    tpu.vector_store %arg12[%swap3A_148, %swap3A_149], %scan3A_138#2 {strides = array<i32>} : memref<128x64xf32, #tpu.memory_space<vmem>>, vector<16xf32>,
    %swap3A_151 = arith.constant 126 : i32
    %swap3A_152 = arith.index_cast %swap3A_151 : i32 to index
    %swap3A_153 = arith.constant 48 : index
    %swap3A_154 = tpu.vector_load %arg12[%swap3A_152, %swap3A_153] {strides = array<i32>} : memref<128x64xf32, #tpu.memory_space<vmem>>, vector<16xf32>,
    tpu.vector_store %arg12[%swap3A_152, %swap3A_153], %scan3A_138#3 {strides = array<i32>} : memref<128x64xf32, #tpu.memory_space<vmem>>, vector<16xf32>,
    %dma_wait3A_155 = arith.constant 0 : i32
    %dma_wait3A_156 = arith.constant 1 : i32
    %dma_wait3A_157 = arith.constant 0 : i32
    %dma_wait3A_158 = arith.constant 0 : i32
    %dma_wait3A_159 = tpu.memref_slice %arg11[%dma_wait3A_156, %dma_wait3A_157, %dma_wait3A_158] : memref<3x200x128xf32, #tpu.memory_space<vmem>> -> memref<1x104x128xf32, #tpu.memory_space<vmem>>
    %dma_wait3A_160 = tpu.memref_squeeze %dma_wait3A_159 : memref<1x104x128xf32, #tpu.memory_space<vmem>> -> memref<104x128xf32, #tpu.memory_space<vmem>>
    %dma_wait3A_161 = arith.constant 0 : i32
    %dma_wait3A_162 = tpu.memref_slice %arg10[%dma_wait3A_155, %dma_wait3A_161] : memref<128x200xi32, #tpu.memory_space<vmem>> -> memref<1x104xi32, #tpu.memory_space<vmem>>
    %dma_wait3A_163 = tpu.memref_squeeze %dma_wait3A_162 : memref<1x104xi32, #tpu.memory_space<vmem>> -> memref<104xi32, #tpu.memory_space<vmem>>
    %dma_wait3A_164 = arith.constant 0 : i32
    %dma_wait3A_165 = arith.constant 0 : i32
    %dma_wait3A_166 = tpu.memref_slice %arg4[%dma_wait3A_164, %dma_wait3A_165] : memref<1000000x128xf32, #tpu.memory_space<hbm>> -> memref<1000000x128xf32, #tpu.memory_space<hbm>>
    tpu.wait_indirect_dma semaphore(%arg17 : memref<!tpu.dma_semaphore, #tpu.memory_space<semaphore_mem>>) src(%dma_wait3A_166 : memref<1000000x128xf32, #tpu.memory_space<hbm>>) dst(%dma_wait3A_160 : memref<104x128xf32, #tpu.memory_space<vmem>>)
    %dma_wait3A_167 = arith.constant 0 : i32
    %dma_wait3A_168 = arith.constant 1 : i32
    %dma_wait3A_169 = arith.constant 104 : i32
    %dma_wait3A_170 = arith.constant 0 : i32
    %dma_wait3A_171 = tpu.memref_slice %arg11[%dma_wait3A_168, %dma_wait3A_169, %dma_wait3A_170] : memref<3x200x128xf32, #tpu.memory_space<vmem>> -> memref<1x96x128xf32, #tpu.memory_space<vmem>>
    %dma_wait3A_172 = tpu.memref_squeeze %dma_wait3A_171 : memref<1x96x128xf32, #tpu.memory_space<vmem>> -> memref<96x128xf32, #tpu.memory_space<vmem>>
    %dma_wait3A_173 = arith.constant 104 : i32
    %dma_wait3A_174 = tpu.memref_slice %arg10[%dma_wait3A_167, %dma_wait3A_173] : memref<128x200xi32, #tpu.memory_space<vmem>> -> memref<1x96xi32, #tpu.memory_space<vmem>>
    %dma_wait3A_175 = tpu.memref_squeeze %dma_wait3A_174 : memref<1x96xi32, #tpu.memory_space<vmem>> -> memref<96xi32, #tpu.memory_space<vmem>>
    %dma_wait3A_176 = arith.constant 0 : i32
    %dma_wait3A_177 = arith.constant 0 : i32
    %dma_wait3A_178 = tpu.memref_slice %arg4[%dma_wait3A_176, %dma_wait3A_177] : memref<1000000x128xf32, #tpu.memory_space<hbm>> -> memref<1000000x128xf32, #tpu.memory_space<hbm>>
    tpu.wait_indirect_dma semaphore(%arg17 : memref<!tpu.dma_semaphore, #tpu.memory_space<semaphore_mem>>) src(%dma_wait3A_178 : memref<1000000x128xf32, #tpu.memory_space<hbm>>) dst(%dma_wait3A_172 : memref<96x128xf32, #tpu.memory_space<vmem>>)
    %add3A_179 = arith.constant 127 : i32
    %add3A_180 = arith.addi %mul3A_2, %add3A_179 : i32
    %dma_start3A_181 = arith.constant 1 : i32
    %dma_start3A_182 = arith.constant 0 : i32
    %dma_start3A_183 = arith.constant 0 : i32
    %dma_start3A_184 = tpu.memref_slice %arg11[%dma_start3A_181, %dma_start3A_182, %dma_start3A_183] : memref<3x200x128xf32, #tpu.memory_space<vmem>> -> memref<1x200x128xf32, #tpu.memory_space<vmem>>
    %dma_start3A_185 = tpu.memref_squeeze %dma_start3A_184 : memref<1x200x128xf32, #tpu.memory_space<vmem>> -> memref<200x128xf32, #tpu.memory_space<vmem>>
    %dma_start3A_186 = arith.constant 0 : i32
    %dma_start3A_187 = arith.constant 0 : i32
    %dma_start3A_188 = tpu.memref_slice %arg6[%add3A_180, %dma_start3A_186, %dma_start3A_187] : memref<4096x200x128xf32, #tpu.memory_space<hbm>> -> memref<1x200x128xf32, #tpu.memory_space<hbm>>
    %dma_start3A_189 = tpu.memref_squeeze %dma_start3A_188 : memref<1x200x128xf32, #tpu.memory_space<hbm>> -> memref<200x128xf32, #tpu.memory_space<hbm>>
    %dma_start3A_190 = arith.constant 0 : i32
    %dma_start3A_191 = arith.constant 0 : i32
    %dma_start3A_192 = tpu.memref_slice %arg6[%add3A_180, %dma_start3A_190, %dma_start3A_191] : memref<4096x200x128xf32, #tpu.memory_space<hbm>> -> memref<1x200x128xf32, #tpu.memory_space<hbm>>
    %dma_start3A_193 = tpu.memref_squeeze %dma_start3A_192 : memref<1x200x128xf32, #tpu.memory_space<hbm>> -> memref<200x128xf32, #tpu.memory_space<hbm>>
    %dma_start3A_194 = arith.constant 0 : i32
    %dma_start3A_195 = arith.constant 0 : i32
    %dma_start3A_196 = tpu.memref_slice %arg11[%dma_start3A_181, %dma_start3A_194, %dma_start3A_195] : memref<3x200x128xf32, #tpu.memory_space<vmem>> -> memref<1x200x128xf32, #tpu.memory_space<vmem>>
    %dma_start3A_197 = tpu.memref_squeeze %dma_start3A_196 : memref<1x200x128xf32, #tpu.memory_space<vmem>> -> memref<200x128xf32, #tpu.memory_space<vmem>>
    tpu.enqueue_dma source(%dma_start3A_197 : memref<200x128xf32, #tpu.memory_space<vmem>>) target(%dma_start3A_193 : memref<200x128xf32, #tpu.memory_space<hbm>>) target_semaphore(%arg20 : memref<!tpu.dma_semaphore, #tpu.memory_space<semaphore_mem>>)
    %dma_wait3A_198 = arith.constant 0 : i32
    %dma_wait3A_199 = arith.constant 0 : i32
    %dma_wait3A_200 = arith.constant 0 : i32
    %dma_wait3A_201 = arith.constant 0 : i32
    %dma_wait3A_202 = tpu.memref_slice %arg11[%dma_wait3A_198, %dma_wait3A_200, %dma_wait3A_201] : memref<3x200x128xf32, #tpu.memory_space<vmem>> -> memref<1x200x128xf32, #tpu.memory_space<vmem>>
    %dma_wait3A_203 = tpu.memref_squeeze %dma_wait3A_202 : memref<1x200x128xf32, #tpu.memory_space<vmem>> -> memref<200x128xf32, #tpu.memory_space<vmem>>
    %dma_wait3A_204 = arith.constant 0 : i32
    %dma_wait3A_205 = arith.constant 0 : i32
    %dma_wait3A_206 = tpu.memref_slice %arg6[%dma_wait3A_199, %dma_wait3A_204, %dma_wait3A_205] : memref<4096x200x128xf32, #tpu.memory_space<hbm>> -> memref<1x200x128xf32, #tpu.memory_space<hbm>>
    %dma_wait3A_207 = tpu.memref_squeeze %dma_wait3A_206 : memref<1x200x128xf32, #tpu.memory_space<hbm>> -> memref<200x128xf32, #tpu.memory_space<hbm>>
    %dma_wait3A_208 = arith.constant 0 : i32
    %dma_wait3A_209 = arith.constant 0 : i32
    %dma_wait3A_210 = tpu.memref_slice %arg6[%dma_wait3A_199, %dma_wait3A_208, %dma_wait3A_209] : memref<4096x200x128xf32, #tpu.memory_space<hbm>> -> memref<1x200x128xf32, #tpu.memory_space<hbm>>
    %dma_wait3A_211 = tpu.memref_squeeze %dma_wait3A_210 : memref<1x200x128xf32, #tpu.memory_space<hbm>> -> memref<200x128xf32, #tpu.memory_space<hbm>>
    %dma_wait3A_212 = arith.constant 0 : i32
    %dma_wait3A_213 = arith.constant 0 : i32
    %dma_wait3A_214 = tpu.memref_slice %arg11[%dma_wait3A_198, %dma_wait3A_212, %dma_wait3A_213] : memref<3x200x128xf32, #tpu.memory_space<vmem>> -> memref<1x200x128xf32, #tpu.memory_space<vmem>>
    %dma_wait3A_215 = tpu.memref_squeeze %dma_wait3A_214 : memref<1x200x128xf32, #tpu.memory_space<vmem>> -> memref<200x128xf32, #tpu.memory_space<vmem>>
    tpu.wait_dma2 semaphore(%arg19 : memref<!tpu.dma_semaphore, #tpu.memory_space<semaphore_mem>>) src(%dma_wait3A_215 : memref<200x128xf32, #tpu.memory_space<vmem>>) dst(%dma_wait3A_211 : memref<200x128xf32, #tpu.memory_space<hbm>>)
    %broadcast_in_dim3A_216 = arith.constant 0.000000e+00 : f32
    %broadcast_in_dim3A_217 = vector.broadcast %broadcast_in_dim3A_216 : f32 to vector<16xf32>
    %scan3A_218 = arith.constant 0 : i32
    %scan3A_219 = arith.constant 200 : i32
    %scan3A_220 = arith.addi %scan3A_218, %scan3A_219 : i32
    %scan3A_221 = arith.constant 4 : i32
    %scan3A_222:4 = scf.for %scan3A_258 = %scan3A_218 to %scan3A_220 step %scan3A_221 iter_args(%scan3A_259 = %broadcast_in_dim3A_217, %scan3A_260 = %broadcast_in_dim3A_217, %scan3A_261 = %broadcast_in_dim3A_217, %scan3A_262 = %broadcast_in_dim3A_217) -> (vector<16xf32>, vector<16xf32>, vector<16xf32>, vector<16xf32>)  : i32 {
      %get3A = arith.constant 1 : i32
      %get3A_263 = arith.index_cast %get3A : i32 to index
      %get3A_264 = arith.index_cast %scan3A_258 : i32 to index
      %get3A_265 = arith.constant 0 : index
      %get3A_266 = tpu.vector_load %arg11[%get3A_263, %get3A_264, %get3A_265] {strides = array<i32>} : memref<3x200x128xf32, #tpu.memory_space<vmem>>, vector<16xf32>,
      %add3A_267 = arith.addf %scan3A_259, %get3A_266 : vector<16xf32>
      %get3A_268 = arith.constant 1 : i32
      %get3A_269 = arith.index_cast %get3A_268 : i32 to index
      %get3A_270 = arith.index_cast %scan3A_258 : i32 to index
      %get3A_271 = arith.constant 16 : index
      %get3A_272 = tpu.vector_load %arg11[%get3A_269, %get3A_270, %get3A_271] {strides = array<i32>} : memref<3x200x128xf32, #tpu.memory_space<vmem>>, vector<16xf32>,
      %add3A_273 = arith.addf %scan3A_260, %get3A_272 : vector<16xf32>
      %get3A_274 = arith.constant 1 : i32
      %get3A_275 = arith.index_cast %get3A_274 : i32 to index
      %get3A_276 = arith.index_cast %scan3A_258 : i32 to index
      %get3A_277 = arith.constant 32 : index
      %get3A_278 = tpu.vector_load %arg11[%get3A_275, %get3A_276, %get3A_277] {strides = array<i32>} : memref<3x200x128xf32, #tpu.memory_space<vmem>>, vector<16xf32>,
      %add3A_279 = arith.addf %scan3A_261, %get3A_278 : vector<16xf32>
      %get3A_280 = arith.constant 1 : i32
      %get3A_281 = arith.index_cast %get3A_280 : i32 to index
      %get3A_282 = arith.index_cast %scan3A_258 : i32 to index
      %get3A_283 = arith.constant 48 : index
      %get3A_284 = tpu.vector_load %arg11[%get3A_281, %get3A_282, %get3A_283] {strides = array<i32>} : memref<3x200x128xf32, #tpu.memory_space<vmem>>, vector<16xf32>,
      %add3A_285 = arith.addf %scan3A_262, %get3A_284 : vector<16xf32>
      %scan3A_286 = arith.constant 1 : i32
      %scan3A_287 = arith.addi %scan3A_258, %scan3A_286 : i32
      %get3A_288 = arith.constant 1 : i32
      %get3A_289 = arith.index_cast %get3A_288 : i32 to index
      %get3A_290 = arith.index_cast %scan3A_287 : i32 to index
      %get3A_291 = arith.constant 0 : index
      %get3A_292 = tpu.vector_load %arg11[%get3A_289, %get3A_290, %get3A_291] {strides = array<i32>} : memref<3x200x128xf32, #tpu.memory_space<vmem>>, vector<16xf32>,
      %add3A_293 = arith.addf %add3A_267, %get3A_292 : vector<16xf32>
      %get3A_294 = arith.constant 1 : i32
      %get3A_295 = arith.index_cast %get3A_294 : i32 to index
      %get3A_296 = arith.index_cast %scan3A_287 : i32 to index
      %get3A_297 = arith.constant 16 : index
      %get3A_298 = tpu.vector_load %arg11[%get3A_295, %get3A_296, %get3A_297] {strides = array<i32>} : memref<3x200x128xf32, #tpu.memory_space<vmem>>, vector<16xf32>,
      %add3A_299 = arith.addf %add3A_273, %get3A_298 : vector<16xf32>
      %get3A_300 = arith.constant 1 : i32
      %get3A_301 = arith.index_cast %get3A_300 : i32 to index
      %get3A_302 = arith.index_cast %scan3A_287 : i32 to index
      %get3A_303 = arith.constant 32 : index
      %get3A_304 = tpu.vector_load %arg11[%get3A_301, %get3A_302, %get3A_303] {strides = array<i32>} : memref<3x200x128xf32, #tpu.memory_space<vmem>>, vector<16xf32>,
      %add3A_305 = arith.addf %add3A_279, %get3A_304 : vector<16xf32>
      %get3A_306 = arith.constant 1 : i32
      %get3A_307 = arith.index_cast %get3A_306 : i32 to index
      %get3A_308 = arith.index_cast %scan3A_287 : i32 to index
      %get3A_309 = arith.constant 48 : index
      %get3A_310 = tpu.vector_load %arg11[%get3A_307, %get3A_308, %get3A_309] {strides = array<i32>} : memref<3x200x128xf32, #tpu.memory_space<vmem>>, vector<16xf32>,
      %add3A_311 = arith.addf %add3A_285, %get3A_310 : vector<16xf32>
      %scan3A_312 = arith.constant 2 : i32
      %scan3A_313 = arith.addi %scan3A_258, %scan3A_312 : i32
      %get3A_314 = arith.constant 1 : i32
      %get3A_315 = arith.index_cast %get3A_314 : i32 to index
      %get3A_316 = arith.index_cast %scan3A_313 : i32 to index
      %get3A_317 = arith.constant 0 : index
      %get3A_318 = tpu.vector_load %arg11[%get3A_315, %get3A_316, %get3A_317] {strides = array<i32>} : memref<3x200x128xf32, #tpu.memory_space<vmem>>, vector<16xf32>,
      %add3A_319 = arith.addf %add3A_293, %get3A_318 : vector<16xf32>
      %get3A_320 = arith.constant 1 : i32
      %get3A_321 = arith.index_cast %get3A_320 : i32 to index
      %get3A_322 = arith.index_cast %scan3A_313 : i32 to index
      %get3A_323 = arith.constant 16 : index
      %get3A_324 = tpu.vector_load %arg11[%get3A_321, %get3A_322, %get3A_323] {strides = array<i32>} : memref<3x200x128xf32, #tpu.memory_space<vmem>>, vector<16xf32>,
      %add3A_325 = arith.addf %add3A_299, %get3A_324 : vector<16xf32>
      %get3A_326 = arith.constant 1 : i32
      %get3A_327 = arith.index_cast %get3A_326 : i32 to index
      %get3A_328 = arith.index_cast %scan3A_313 : i32 to index
      %get3A_329 = arith.constant 32 : index
      %get3A_330 = tpu.vector_load %arg11[%get3A_327, %get3A_328, %get3A_329] {strides = array<i32>} : memref<3x200x128xf32, #tpu.memory_space<vmem>>, vector<16xf32>,
      %add3A_331 = arith.addf %add3A_305, %get3A_330 : vector<16xf32>
      %get3A_332 = arith.constant 1 : i32
      %get3A_333 = arith.index_cast %get3A_332 : i32 to index
      %get3A_334 = arith.index_cast %scan3A_313 : i32 to index
      %get3A_335 = arith.constant 48 : index
      %get3A_336 = tpu.vector_load %arg11[%get3A_333, %get3A_334, %get3A_335] {strides = array<i32>} : memref<3x200x128xf32, #tpu.memory_space<vmem>>, vector<16xf32>,
      %add3A_337 = arith.addf %add3A_311, %get3A_336 : vector<16xf32>
      %scan3A_338 = arith.constant 3 : i32
      %scan3A_339 = arith.addi %scan3A_258, %scan3A_338 : i32
      %get3A_340 = arith.constant 1 : i32
      %get3A_341 = arith.index_cast %get3A_340 : i32 to index
      %get3A_342 = arith.index_cast %scan3A_339 : i32 to index
      %get3A_343 = arith.constant 0 : index
      %get3A_344 = tpu.vector_load %arg11[%get3A_341, %get3A_342, %get3A_343] {strides = array<i32>} : memref<3x200x128xf32, #tpu.memory_space<vmem>>, vector<16xf32>,
      %add3A_345 = arith.addf %add3A_319, %get3A_344 : vector<16xf32>
      %get3A_346 = arith.constant 1 : i32
      %get3A_347 = arith.index_cast %get3A_346 : i32 to index
      %get3A_348 = arith.index_cast %scan3A_339 : i32 to index
      %get3A_349 = arith.constant 16 : index
      %get3A_350 = tpu.vector_load %arg11[%get3A_347, %get3A_348, %get3A_349] {strides = array<i32>} : memref<3x200x128xf32, #tpu.memory_space<vmem>>, vector<16xf32>,
      %add3A_351 = arith.addf %add3A_325, %get3A_350 : vector<16xf32>
      %get3A_352 = arith.constant 1 : i32
      %get3A_353 = arith.index_cast %get3A_352 : i32 to index
      %get3A_354 = arith.index_cast %scan3A_339 : i32 to index
      %get3A_355 = arith.constant 32 : index
      %get3A_356 = tpu.vector_load %arg11[%get3A_353, %get3A_354, %get3A_355] {strides = array<i32>} : memref<3x200x128xf32, #tpu.memory_space<vmem>>, vector<16xf32>,
      %add3A_357 = arith.addf %add3A_331, %get3A_356 : vector<16xf32>
      %get3A_358 = arith.constant 1 : i32
      %get3A_359 = arith.index_cast %get3A_358 : i32 to index
      %get3A_360 = arith.index_cast %scan3A_339 : i32 to index
      %get3A_361 = arith.constant 48 : index
      %get3A_362 = tpu.vector_load %arg11[%get3A_359, %get3A_360, %get3A_361] {strides = array<i32>} : memref<3x200x128xf32, #tpu.memory_space<vmem>>, vector<16xf32>,
      %add3A_363 = arith.addf %add3A_337, %get3A_362 : vector<16xf32>
      scf.yield %add3A_345, %add3A_351, %add3A_357, %add3A_363 : vector<16xf32>, vector<16xf32>, vector<16xf32>, vector<16xf32>
    }
    %scan3A_223 = arith.constant 200 : i32
    %swap3A_224 = arith.constant 127 : i32
    %swap3A_225 = arith.index_cast %swap3A_224 : i32 to index
    %swap3A_226 = arith.constant 0 : index
    %swap3A_227 = tpu.vector_load %arg12[%swap3A_225, %swap3A_226] {strides = array<i32>} : memref<128x64xf32, #tpu.memory_space<vmem>>, vector<16xf32>,
    tpu.vector_store %arg12[%swap3A_225, %swap3A_226], %scan3A_222#0 {strides = array<i32>} : memref<128x64xf32, #tpu.memory_space<vmem>>, vector<16xf32>,
    %swap3A_228 = arith.constant 127 : i32
    %swap3A_229 = arith.index_cast %swap3A_228 : i32 to index
    %swap3A_230 = arith.constant 16 : index
    %swap3A_231 = tpu.vector_load %arg12[%swap3A_229, %swap3A_230] {strides = array<i32>} : memref<128x64xf32, #tpu.memory_space<vmem>>, vector<16xf32>,
    tpu.vector_store %arg12[%swap3A_229, %swap3A_230], %scan3A_222#1 {strides = array<i32>} : memref<128x64xf32, #tpu.memory_space<vmem>>, vector<16xf32>,
    %swap3A_232 = arith.constant 127 : i32
    %swap3A_233 = arith.index_cast %swap3A_232 : i32 to index
    %swap3A_234 = arith.constant 32 : index
    %swap3A_235 = tpu.vector_load %arg12[%swap3A_233, %swap3A_234] {strides = array<i32>} : memref<128x64xf32, #tpu.memory_space<vmem>>, vector<16xf32>,
    tpu.vector_store %arg12[%swap3A_233, %swap3A_234], %scan3A_222#2 {strides = array<i32>} : memref<128x64xf32, #tpu.memory_space<vmem>>, vector<16xf32>,
    %swap3A_236 = arith.constant 127 : i32
    %swap3A_237 = arith.index_cast %swap3A_236 : i32 to index
    %swap3A_238 = arith.constant 48 : index
    %swap3A_239 = tpu.vector_load %arg12[%swap3A_237, %swap3A_238] {strides = array<i32>} : memref<128x64xf32, #tpu.memory_space<vmem>>, vector<16xf32>,
    tpu.vector_store %arg12[%swap3A_237, %swap3A_238], %scan3A_222#3 {strides = array<i32>} : memref<128x64xf32, #tpu.memory_space<vmem>>, vector<16xf32>,
    %dma_wait3A_240 = arith.constant 1 : i32
    %dma_wait3A_241 = arith.constant 0 : i32
    %dma_wait3A_242 = arith.constant 0 : i32
    %dma_wait3A_243 = arith.constant 0 : i32
    %dma_wait3A_244 = tpu.memref_slice %arg11[%dma_wait3A_240, %dma_wait3A_242, %dma_wait3A_243] : memref<3x200x128xf32, #tpu.memory_space<vmem>> -> memref<1x200x128xf32, #tpu.memory_space<vmem>>
    %dma_wait3A_245 = tpu.memref_squeeze %dma_wait3A_244 : memref<1x200x128xf32, #tpu.memory_space<vmem>> -> memref<200x128xf32, #tpu.memory_space<vmem>>
    %dma_wait3A_246 = arith.constant 0 : i32
    %dma_wait3A_247 = arith.constant 0 : i32
    %dma_wait3A_248 = tpu.memref_slice %arg6[%dma_wait3A_241, %dma_wait3A_246, %dma_wait3A_247] : memref<4096x200x128xf32, #tpu.memory_space<hbm>> -> memref<1x200x128xf32, #tpu.memory_space<hbm>>
    %dma_wait3A_249 = tpu.memref_squeeze %dma_wait3A_248 : memref<1x200x128xf32, #tpu.memory_space<hbm>> -> memref<200x128xf32, #tpu.memory_space<hbm>>
    %dma_wait3A_250 = arith.constant 0 : i32
    %dma_wait3A_251 = arith.constant 0 : i32
    %dma_wait3A_252 = tpu.memref_slice %arg6[%dma_wait3A_241, %dma_wait3A_250, %dma_wait3A_251] : memref<4096x200x128xf32, #tpu.memory_space<hbm>> -> memref<1x200x128xf32, #tpu.memory_space<hbm>>
    %dma_wait3A_253 = tpu.memref_squeeze %dma_wait3A_252 : memref<1x200x128xf32, #tpu.memory_space<hbm>> -> memref<200x128xf32, #tpu.memory_space<hbm>>
    %dma_wait3A_254 = arith.constant 0 : i32
    %dma_wait3A_255 = arith.constant 0 : i32
    %dma_wait3A_256 = tpu.memref_slice %arg11[%dma_wait3A_240, %dma_wait3A_254, %dma_wait3A_255] : memref<3x200x128xf32, #tpu.memory_space<vmem>> -> memref<1x200x128xf32, #tpu.memory_space<vmem>>
    %dma_wait3A_257 = tpu.memref_squeeze %dma_wait3A_256 : memref<1x200x128xf32, #tpu.memory_space<vmem>> -> memref<200x128xf32, #tpu.memory_space<vmem>>
    tpu.wait_dma2 semaphore(%arg20 : memref<!tpu.dma_semaphore, #tpu.memory_space<semaphore_mem>>) src(%dma_wait3A_257 : memref<200x128xf32, #tpu.memory_space<vmem>>) dst(%dma_wait3A_253 : memref<200x128xf32, #tpu.memory_space<hbm>>)
    "tpu.region"() ({
      %run_scoped3A = tpu.sem_alloc : memref<!tpu.dma_semaphore, #tpu.memory_space<semaphore_mem>>
      %dma_start3A_258 = arith.constant 0 : i32
      %dma_start3A_259 = tpu.memref_slice %arg7[%mul3A_2, %dma_start3A_258] : memref<4096x64xf32, #tpu.memory_space<hbm>> -> memref<128x64xf32, #tpu.memory_space<hbm>>
      %dma_start3A_260 = arith.constant 0 : i32
      %dma_start3A_261 = tpu.memref_slice %arg7[%mul3A_2, %dma_start3A_260] : memref<4096x64xf32, #tpu.memory_space<hbm>> -> memref<128x64xf32, #tpu.memory_space<hbm>>
      tpu.enqueue_dma source(%arg12 : memref<128x64xf32, #tpu.memory_space<vmem>>) target(%dma_start3A_261 : memref<128x64xf32, #tpu.memory_space<hbm>>) target_semaphore(%run_scoped3A : memref<!tpu.dma_semaphore, #tpu.memory_space<semaphore_mem>>)
      %dma_wait3A_262 = arith.constant 0 : i32
      %dma_wait3A_263 = tpu.memref_slice %arg7[%mul3A_2, %dma_wait3A_262] : memref<4096x64xf32, #tpu.memory_space<hbm>> -> memref<128x64xf32, #tpu.memory_space<hbm>>
      %dma_wait3A_264 = arith.constant 0 : i32
      %dma_wait3A_265 = tpu.memref_slice %arg7[%mul3A_2, %dma_wait3A_264] : memref<4096x64xf32, #tpu.memory_space<hbm>> -> memref<128x64xf32, #tpu.memory_space<hbm>>
      tpu.wait_dma2 semaphore(%run_scoped3A : memref<!tpu.dma_semaphore, #tpu.memory_space<semaphore_mem>>) src(%arg12 : memref<128x64xf32, #tpu.memory_space<vmem>>) dst(%dma_wait3A_265 : memref<128x64xf32, #tpu.memory_space<hbm>>)
      tpu.yield
    }) : () -> ()
    return
  }
}

</mosaic_0001>

<sc_bundles>
// kernel: _sc_gather.3.cloned.1.call-start
scs
__scs_entry_jumppad:
0x0: {  	(pc) =	sbr.rel $0x88, $3  }
0x1: {  	(tag) =	ssettag $0x0;
	lr =	simm.s32 $0x1  }
0x2: {  	[smem:$0x3F9D] =	sst lr;
	_ =	strace $0xD0000000  }
0x3: {  	_ = 	snop  }
0x4: {  	_ = 	snop  }
0x5: {  	_ = 	snop  }
0x6: {  	_ = 	snop  }
0x7: {  	_ = 	snop  }
__scs_overlays_trampoline_lowered:
0x8: {  	[smem:$0x3FAC] =	sst s0  }
0x9: {  	[smem:$0x3FAD] =	sst s1  }
0xa: {  	[smem:$0x3FAE] =	sst s2  }
0xb: {  	[smem:$0x3FAF] =	sst s3  }
0xc: {  	[smem:$0x3FB0] =	sst s4  }
0xd: {  	[smem:$0x3FB1] =	sst s5  }
0xe: {  	[smem:$0x3FB2] =	sst s6  }
0xf: {  	[smem:$0x3FB3] =	sst s7  }
0x10: {  	[smem:$0x3FB4] =	sst s8  }
0x11: {  	[smem:$0x3FB5] =	sst s9;
	s0 =	simm.s32 @!p0 $0x0  }
0x12: {  	s1 =	sld [smem:$0x3F9B];
	s0 =	simm.s32 @p0 $0x1  }
0x13: {  	[smem:$0x3FB6] =	sst s0;
	s0 =	simm.s32 @!p1 $0x0  }
0x14: {  	s2 =	sld [smem:$0x3F9A];
	s0 =	simm.s32 @p1 $0x1  }
0x15: {  	[smem:$0x3FB7] =	sst s0;
	s0 =	simm.s32 @!p2 $0x0  }
0x16: {  	s3 =	sld [smem:$0x3FDB];
	s0 =	simm.s32 @p2 $0x1  }
0x17: {  	s4 =	simm.s32 $0x1BF5;
	[smem:$0x3FB9] =	sst s0  }
0x18: {  	s0 =	sld [smem:$0x3F9C];
	_ =	swait.ge [sflag:s4], $0x0  }
0x19: {  	s7 =	sld [smem:$0x3F9D]  }
0x1a: {  	s8 =	sadd.s32 $0xFFFFE003, lr  }
0x1b: {  	s9 =	sadd.s32 $0xFFFFFEF7, lr;
	s5 =	simm.s32 $0xFFFFFFFF;
	p2 =	slt.u32 s8, $0xFFFFF086  }
0x1c: {  	p1 =	slt.u32 s9, $0xF7A;
	s5 =	simm.s32 @!p2 $0x0  }
0x1d: {  	s5 =	simm.s32 @p1 $0x1;
	p0 =	seq.s32 s7, s2  }
0x1e: {  	s7 =	smul.u32 @!p0 $0xF7A, s2;
	p2 =	seq.s32 @!p0 s5, $0x0  }
0x1f: {  	s9 =	smul.u32 $0xF7A, s1;
	s8 =	simm.s32 @!p0 $0x1BF5;
	p2 =	por !p2, p0  }
0x20: {  	[sflag:s8] =	ssyncset.s32 @!p0 $0xFFFFF086;
	s6 =	sadd.s32 @!p0 s3, s7;
	s7 =	simm.s32 @!p0 $0x108  }
0x21: {  	s3 =	sadd.s32 s3, s9;
	s6 =	sadd.s32 @!p0 $0x88, s6;
	s7 =	simm.s32 @p2 $0x1082  }
0x22: {  	[simem:s7], [sflag:s8] =	dma.local @!p0 [hbm:s6], $0xF7A  }
0x23: {  	s9 =	sor.u32 $0xD0000000, s2;
	s6 =	simm.s32 $0x108;
	_ =	swait.ge @!p0 [sflag:s8], $0x0  }
0x24: {  	s3 =	sadd.s32 $0x88, s3;
	s6 =	simm.s32 @!p1 $0x1082;
	[sflag:s4] =	ssyncset.s32 $0xFFFFF086  }
0x25: {  	[simem:s6], [sflag:s4] =	dma.local [hbm:s3], $0xF7A  }
0x26: {  	[smem:$0x3F9D] =	sst s1;
	(tag) =	ssettag s2;
	_ =	strace s9  }
0x27: {  	s1 =	sld [smem:$0x3FAD]  }
0x28: {  	s2 =	sld [smem:$0x3FAE]  }
0x29: {  	s4 =	sld [smem:$0x3FB0]  }
0x2a: {  	p0 =	seq.s32 s5, $0x0;
	s5 =	sld [smem:$0x3FB1]  }
0x2b: {  	s6 =	sld [smem:$0x3FB2]  }
0x2c: {  	s7 =	sld [smem:$0x3FB3]  }
0x2d: {  	s3 =	simm.s32 $0x108;
	s8 =	sld [smem:$0x3FB4]  }
0x2e: {  	s3 =	simm.s32 @!p0 $0x1082;
	s9 =	sld [smem:$0x3FB5]  }
0x2f: {  	lr =	sadd.s32 s0, s3;
	s0 =	sld [smem:$0x3FAC]  }
0x30: {  	s3 =	sld [smem:$0x3FAF]  }
0x31: {  	[smem:$0x3FB8] =	sst s10  }
0x32: {  	s10 =	sld [smem:$0x3FB6];
	_ =	sdelay $0x3  }
0x33: {  	p0 =	seq.s32 s10, $0x1;
	s10 =	sld [smem:$0x3FB8];
	_ =	sdelay $0x3  }
0x34: {  	[smem:$0x3FB8] =	sst s10  }
0x35: {  	s10 =	sld [smem:$0x3FB7];
	_ =	sdelay $0x3  }
0x36: {  	p1 =	seq.s32 s10, $0x1;
	s10 =	sld [smem:$0x3FB8];
	_ =	sdelay $0x3  }
0x37: {  	[smem:$0x3FB8] =	sst s10  }
0x38: {  	s10 =	sld [smem:$0x3FB9]  }
0x39: {  	_ = 	snop;
	(pc) =	sbr.ind lr, $3  }
0x3a: {  	_ = 	snop  }
0x3b: {  	_ = 	snop  }
0x3c: {  	p2 =	seq.s32 s10, $0x1;
	s10 =	sld [smem:$0x3FB8]  }
0x3d: {  	_ =	shalt  }
0x3e: {  	_ =	shalt  }
0x3f: {  	_ =	shalt  }
0x40: {  	_ =	shalt  }
0x41: {  	_ =	shalt  }
0x42: {  	_ =	shalt  }
0x43: {  	_ =	shalt  }
0x44: {  	_ =	shalt  }
0x45: {  	_ =	shalt  }
0x46: {  	_ =	shalt  }
0x47: {  	_ =	shalt  }
0x48: {  	_ =	shalt  }
0x49: {  	_ =	shalt  }
0x4a: {  	_ =	shalt  }
0x4b: {  	_ =	shalt  }
0x4c: {  	_ =	shalt  }
0x4d: {  	_ =	shalt  }
0x4e: {  	_ =	shalt  }
0x4f: {  	_ =	shalt  }
0x50: {  	_ =	shalt  }
0x51: {  	_ =	shalt  }
0x52: {  	_ =	shalt  }
0x53: {  	_ =	shalt  }
0x54: {  	_ =	shalt  }
0x55: {  	_ =	shalt  }
0x56: {  	_ =	shalt  }
0x57: {  	_ =	shalt  }
0x58: {  	_ =	shalt  }
0x59: {  	_ =	shalt  }
0x5a: {  	_ =	shalt  }
0x5b: {  	_ =	shalt  }
0x5c: {  	_ =	shalt  }
0x5d: {  	_ =	shalt  }
0x5e: {  	_ =	shalt  }
0x5f: {  	_ =	shalt  }
0x60: {  	_ =	shalt  }
0x61: {  	_ =	shalt  }
0x62: {  	_ =	shalt  }
0x63: {  	_ =	shalt  }
0x64: {  	_ =	shalt  }
0x65: {  	_ =	shalt  }
0x66: {  	_ =	shalt  }
0x67: {  	_ =	shalt  }
0x68: {  	_ =	shalt  }
0x69: {  	_ =	shalt  }
0x6a: {  	_ =	shalt  }
0x6b: {  	_ =	shalt  }
0x6c: {  	_ =	shalt  }
0x6d: {  	_ =	shalt  }
0x6e: {  	_ =	shalt  }
0x6f: {  	_ =	shalt  }
0x70: {  	_ =	shalt  }
0x71: {  	_ =	shalt  }
0x72: {  	_ =	shalt  }
0x73: {  	_ =	shalt  }
0x74: {  	_ =	shalt  }
0x75: {  	_ =	shalt  }
0x76: {  	_ =	shalt  }
0x77: {  	_ =	shalt  }
0x78: {  	_ =	shalt  }
0x79: {  	_ =	shalt  }
0x7a: {  	_ =	shalt  }
0x7b: {  	_ =	shalt  }
0x7c: {  	_ =	shalt  }
0x7d: {  	_ =	shalt  }
0x7e: {  	_ =	shalt  }
0x7f: {  	_ =	shalt  }
0x80: {  	_ =	shalt  }
0x81: {  	_ =	shalt  }
0x82: {  	_ =	shalt  }
0x83: {  	_ =	shalt  }
0x84: {  	_ =	shalt  }
0x85: {  	_ =	shalt  }
0x86: {  	_ =	shalt  }
0x87: {  	_ =	shalt  }
.Lfunc_end0:
.L_simem_size_0:
called_computation_lowered:
.L_overlay_start_0:
0x88: {  	s2 =	sld [smem:$0x3FD9]  }
0x89: {  	s3 =	sld [smem:$0x3FFE];
	_ =	sdelay $0x1  }
0x8a: {  	s1 =	srdreg.scid  }
0x8b: {  	s0 =	sand.u32 $0x1, s1  }
0x8c: {  	s14 =	sshll.u32 s0, $0xA;
	s2 =	sadd.s32 s3, s2  }
0x8d: {  	s2 =	sadd.s32 s2, s14  }
0x8e: {  	[smem:$0x3FC4] =	sst s2  }
0x8f: {  	_ = 	snop  }
0x90: {  	s2 =	sld [smem:$0x3FD0];
	_ =	sdelay $0x1  }
0x91: {  	s15 =	sld [smem:$0x3FC8]  }
0x92: {  	s5 =	simm.s32 $0xA;
	s6 =	simm.s32 $0x10;
	s4 =	sld [smem:$0x3FC7]  }
0x93: {  	[smem:s6], [sflag:s5] =	dma.local [hbm:s2], $0x1  }
0x94: {  	_ =	swait.eq [sflag:s5], $0x1  }
0x95: {  	s16 =	sld [smem:$0x10];
	[sflag:s5] =	ssyncset.done $0x0  }
0x96: {  	s17 =	sld [smem:$0x11];
	[sflag:s5] =	ssyncadd.s32 $0xFFFFFFFF  }
0x97: {  	s18 =	sld [smem:$0x12];
	(tm) =	ssettm $0x1  }
0x98: {  	s7 =	sld [smem:$0x3FFB];
	_ =	sdelay $0x3  }
0x99: {  	_ =	strace s7  }
0x9a: {  	s7 =	sld [smem:$0x3FFC];
	_ =	sdelay $0x3  }
0x9b: {  	_ =	strace s7  }
0x9c: {  	s7 =	sld [smem:$0x3FFD];
	_ =	sdelay $0x3  }
0x9d: {  	_ =	strace s7  }
0x9e: {  	_ =	strace $0x8FFFFFFF  }
0x9f: {  	s19 =	sld [smem:$0x3FDB];
	_ =	sdelay $0x1  }
0xa0: {  	s8 =	simm.s32 $_scs_section_size  }
0xa1: {  	s9 =	simm.s32 $_size__tile_overlayer_lowered;
	s10 =	simm.s32 $_tile_overlayer_lowered  }
0xa2: {  	s22 =	simm.s32 $0x1BFF;
	s21 =	sshll.u32 s10, $0x1;
	s7 =	sadd.s32 s8, s19  }
0xa3: {  	s11 =	simm.s32 $0x0;
	s20 =	sshll.u32 s9, $0x1;
	s9 =	sadd.s32 s21, s7  }
0xa4: {  	[timem:s11], [sflag:s22] =	dma.local [hbm:s9], s20  }
0xa5: {  	_ =	swait.ge [sflag:s22], s20  }
0xa6: {  	s8 =	ssub.s32 $0x0, s20;
	[sflag:s22] =	ssyncset.done $0x0  }
0xa7: {  	[sflag:s22] =	ssyncadd.s32 s8;
	_ =	sdelay $0x1  }
0xa8: {  	s23 =	simm.s32 $0x1B8B  }
0xa9: {  	_ =	swait.ge [sflag:s23], $0x1  }
0xaa: {  	[sflag:s23] =	ssyncset.done $0x0  }
0xab: {  	s25 =	simm.s32 $0x1B8E;
	s24 =	sld [smem:$0x3FFE];
	[sflag:s23] =	ssyncadd.s32 $0xFFFFFFFF  }
0xac: {  	s26 =	simm.s32 $execute0_lowered;
	[smem:$0x3FD2] =	sst s25  }
0xad: {  	s9 =	sshll.u32 s26, $0x1;
	_ =	strace $0x80000046;
	[dreg:$0x1] =	wrdreg $0xFFFFFFFF  }
0xae: {  	s28 =	simm.s32 $_size_execute0_lowered;
	s7 =	sadd.s32 s7, s9;
	[dreg:$0x0] =	wrdreg $0x0  }
0xaf: {  	s9 =	sshll.u32 s28, $0x1;
	[dreg:$0x2] =	wrdreg s7  }
0xb0: {  	[dreg:$0x3] =	wrdreg s9  }
0xb1: {  	[dreg:$0x4] =	wrdreg $0xC0  }
0xb2: {  	_ =	task [dreg:s11], $0x5FFFF  }
0xb3: {  	[dreg:$0x1] =	wrdreg $0xFFFFFFFF  }
0xb4: {  	[dreg:$0x0] =	wrdreg $0x60  }
0xb5: {  	[dreg:$0x2] =	wrdreg s24  }
0xb6: {  	[dreg:$0x3] =	wrdreg s15  }
0xb7: {  	[dreg:$0x4] =	wrdreg s4  }
0xb8: {  	[dreg:$0x5] =	wrdreg s16  }
0xb9: {  	[dreg:$0x6] =	wrdreg s17  }
0xba: {  	[dreg:$0x7] =	wrdreg s18  }
0xbb: {  	[dreg:$0x8] =	wrdreg $0x9  }
0xbc: {  	_ =	task.clear_ibuf [dreg:s11], $0x9FFFF;
	_ =	strace $0x90000046  }
0xbd: {  	s29 =	simm.s32 $0x9;
	_ =	strace $0x80000048  }
0xbe: {  	_ =	swait.ge [sflag:s29], $0x1  }
0xbf: {  	[sflag:s29] =	ssyncadd.s32 $0xFFFFFFFF  }
0xc0: {  	_ =	strace $0x90000048  }
0xc1: {  	_ =	sfence  }
0xc2: {  	s30 =	sld [smem:$0x0];
	_ =	sdelay $0x2  }
0xc3: {  	s31 =	sshll.u32 s1, $0xD;
	s1 =	sshrl.u32 s1, $0x2  }
0xc4: {  	s3 =	sand.u32 $0x4000, s31;
	s1 =	sadd.s32 s1, s30  }
0xc5: {  	s0 =	sor.u32 s3, s0;
	s1 =	sshll.u32 s1, $0x11  }
0xc6: {  	s0 =	sor.u32 s1, s0  }
0xc7: {  	s0 =	sadd.s32 $0x8F2B, s0  }
0xc8: {  	[sflag:s0] =	ssyncadd.remote.s32 $0x1  }
0xc9: {  	_ =	sfence.sel $0xFFFF  }
0xca: {  	[dreg:$0x0] =	wrdreg $0xFFFFFFFF;
	(pc) =	sbr.abs _section_cstart, $3  }
0xcb: {  	[dreg:$0x1] =	wrdreg $0xFFFFFFFF  }
0xcc: {  	_ =	task.clear_ibuf [dreg:s11], $0x2FFFF;
	_ =	strace $0x9FFFFFFF  }
0xcd: {  	(tm) =	ssettm $0x7FFFFFFF  }
tec
execute0_lowered:
.L_overlay_start_1:
0x0: {  	(tag) =	ssettag $0x1  }
0x1: {  	s0 =	rddreg [dreg:$0x0]  }
0x2: {  	s3 =	rddreg [dreg:$0x1]  }
0x3: {  	s1 =	rddreg [dreg:$0x2]  }
0x4: {  	s2 =	rddreg [dreg:$0x3]  }
0x5: {  	s4 =	srdreg.scid;
	s6 =	rddreg [dreg:$0x4]  }
0x6: {  	s5 =	stileid.u32;
	s8 =	rddreg [dreg:$0x5]  }
0x7: {  	s16 =	simm.s32 $0x8;
	s17 =	simm.s32 $0x80;
	s19 =	simm.s32 $0x1  }
0x8: {  	s29 =	simm.s32 $0xFC00;
	s31 =	simm.s32 $0x13000;
	s28 =	simm.s32 $0x5  }
0x9: {  	s30 =	simm.s32 $0x4;
	s15 =	simm.s32 $0x7;
	s7 =	sand.u32 $0x1, s4  }
0xa: {  	s5 =	sshll.u32 s5, $0x8;
	s4 =	simm.s32 $0x0;
	s9 =	sshll.u32 s7, $0x7  }
0xb: {  	[smem:$0x7FF] =	sst s4;
	s7 =	ssub.s32 $0x2, s7;
	s5 =	sor.u32 s9, s5  }
0xc: {  	_ =	strace $0x80000047;
	s20 =	sshrl.u32 s7, $0x1;
	s9 =	sshrl.u32 s5, $0x3  }
0xd: {  	s11 =	smul.u32 $0x6400, s5;
	s21 =	sshll.u32 s5, $0x2;
	s25 =	sshll.u32 s5, $0x3  }
0xe: {  	s10 =	sadd.s32 s9, s0;
	s0 =	sadd.s32 $0xA00, s0;
	s3 =	sadd.s32 s3, s9  }
0xf: {  	s13 =	sadd.s32 s6, s25;
	s25 =	simm.s32 $0x3;
	[dreg:$0x7] =	wrdreg s0  }
0x10: {  	s6 =	simm.s32 $0x6;
	s0 =	ssub.s32 s7, s20;
	[dreg:$0x8] =	wrdreg s3  }
0x11: {  	s3 =	sadd.s32 s8, s21;
	s22 =	sadd.s32 $0x1A00, s10;
	s23 =	sshrl.u32 s11, $0x3  }
0x12: {  	s24 =	sadd.s32 $0xEA00, s10;
	s11 =	simm.s32 $0x1000;
	[dreg:$0x9] =	wrdreg s3  }
0x13: {  	v0 =	vlaneseq.u32;
	s21 =	simm.s32 $0x68;
	s7 =	simm.s32 $0x0;
	[dreg:$0xa] =	wrdreg s22  }
0x14: {  	v0 =	vmul.u32 $0x80, v0;
	[dreg:$0xb] =	wrdreg s24;
	s3 =	sadd.s32 s2, s23;
	s14 =	smax.u32 s0, $0x1  }
0x15: {  	s23 =	simm.s32 $0x9800;
	s24 =	simm.s32 $0x60;
	s0 =	simm.s32 $0x16000  }
0x16: {  	v1 =	vor.u32 $0x800, v0;
	v2 =	vor.u32 $0x1000, v0;
	v3 =	vor.u32 $0x1800, v0;
	s22 =	simm.s32 $0x19400;
	s26 =	sadd.s32 $0x62700, s3;
	s12 =	sadd.s32 $0x63380, s3  }
0x17: {  	v4 =	vor.u32 $0x2000, v0;
	v5 =	vor.u32 $0x2800, v0;
	v6 =	vadd.s32 $0x2C00, v0;
	s3 =	simm.s32 $0x2;
	[dreg:$0xc] =	wrdreg s26;
	s26 =	simm.s32 $0xCC00  }
.LBB2_1:
0x18: {  	s8 =	rddreg [dreg:$0x8];
	s9 =	simm.s32 $0x1E400  }
0x19: {  	[tilespmem:s9], [sflag:$0x8] =	stream.linear.gather [hbm4b:s8+s4], $0x80, $0x38;
	[tilespmem:$0x1F480] =	vst v63  }
0x1a: {  	_ =	swait.ge [sflag:s16], $0x80  }
0x1b: {  	[sflag:s16] =	ssyncset.done $0x0  }
0x1c: {  	s10 =	simm.s32 $0x1E480;
	s20 =	rddreg [dreg:$0x7];
	[sflag:s16] =	ssyncadd.s32 $0xFFFFFF80  }
0x1d: {  	[tilespmem:s10], [sflag:$0x1] =	stream.indirect.gather [hbm4b:s20+s17], $0x20, s9, s17, $0xb8;
	[tilespmem:$0x1F480] =	vst v63  }
0x1e: {  	_ =	swait.ge [sflag:s19], $0x1000  }
0x1f: {  	[sflag:s19] =	ssyncset.done $0x0  }
0x20: {  	v7 =	vmov s4;
	s9 =	rddreg [dreg:$0x9];
	[sflag:s19] =	ssyncadd.s32 $0xFFFFF000  }
0x21: {  	v7 =	vand.u32 $0x7F, v7;
	[hbm4b:s9+s4] =	stream.linear.scatter [tilespmem:s10], [sflag:$0x8], $0x1000, $0x38;
	[tilespmem:$0x1F480] =	vst v63  }
0x22: {  	v7 =	vbroadcast v7, $0x0;
	_ =	swait.ge [sflag:s16], $0x1000  }
0x23: {  	[sflag:s16] =	ssyncset.done $0x0  }
0x24: {  	v8 =	vor.u32 v0, v7;
	s18 =	rddreg [dreg:$0xa];
	[sflag:s16] =	ssyncadd.s32 $0xFFFFF000  }
0x25: {  	[tilespmem:s4], [sflag:$0x8] =	stream.strided.gather [hbm4b:s18+s17], $0x3400, s11, s17, $0x38;
	[tilespmem:$0x1F480] =	vst v63  }
0x26: {  	_ =	swait.ge [sflag:s16], $0x3400  }
0x27: {  	[sflag:s16] =	ssyncset.done $0x0  }
0x28: {  	[sflag:s16] =	ssyncadd.s32 $0xFFFFCC00  }
0x29: {  	v8 =	vld.idx.msk [tilespmem:v8+s4+$0x0], $0xffff  }
0x2a: {  	v9 =	vor.u32 v1, v7;
	_ =	sdelay $0x2  }
0x2b: {  	s8 =	simm.s32 $0x3430  }
0x2c: {  	[tilespmem:s8+$0xFFFFFFD0] =	vst v8  }
0x2d: {  	v8 =	vld.idx.msk [tilespmem:v9+s4+$0x0], $0xffff  }
0x2e: {  	v9 =	vor.u32 v2, v7;
	_ =	sdelay $0x3  }
0x2f: {  	[tilespmem:s8+$0xFFFFFFE0] =	vst v8  }
0x30: {  	v8 =	vld.idx.msk [tilespmem:v9+s4+$0x0], $0xffff  }
0x31: {  	v9 =	vor.u32 v3, v7;
	_ =	sdelay $0x3  }
0x32: {  	[tilespmem:s8+$0xFFFFFFF0] =	vst v8  }
0x33: {  	v8 =	vld.idx.msk [tilespmem:v9+s4+$0x0], $0xffff  }
0x34: {  	v9 =	vor.u32 v4, v7;
	_ =	sdelay $0x3  }
0x35: {  	[tilespmem:s8+$0x0] =	vst v8  }
0x36: {  	v8 =	vld.idx.msk [tilespmem:v9+s4+$0x0], $0xffff  }
0x37: {  	v9 =	vor.u32 v5, v7;
	_ =	sdelay $0x3  }
0x38: {  	[tilespmem:s8+$0x10] =	vst v8  }
0x39: {  	v8 =	vld.idx.msk [tilespmem:v9+s4+$0x0], $0xffff  }
0x3a: {  	v7 =	vor.u32 v6, v7;
	_ =	sdelay $0x1  }
0x3b: {  	s20 =	simm.s32 $0x1  }
0x3c: {  	s9 =	simm.s32 $0x2;
	v9 =	vmov s20  }
.LBB2_2:
0x3d: {  	p0 =	sne.s32 s9, $0x7F;
	v9 =	vand.u32 $0x7F, v9;
	[tilespmem:s8+$0x20] =	vst v8  }
0x3e: {  	v9 =	vbroadcast v9, $0x0;
	v7 =	vld.idx.msk [tilespmem:v7+s4+$0x0], $0xffff;
	_ =	sdelay $0x1  }
0x3f: {  	v8 =	vor.u32 v0, v9;
	_ =	sdelay $0x3  }
0x40: {  	[tilespmem:s8+$0x28] =	vst v7  }
0x41: {  	v7 =	vld.idx.msk [tilespmem:v8+s4+$0x0], $0xffff;
	_ =	sdelay $0x1  }
0x42: {  	v8 =	vor.u32 v1, v9;
	_ =	sdelay $0x2  }
0x43: {  	s8 =	sadd.s32 $0xC8, s8  }
0x44: {  	[tilespmem:s8+$0xFFFFFFD0] =	vst v7  }
0x45: {  	v7 =	vld.idx.msk [tilespmem:v8+s4+$0x0], $0xffff;
	_ =	sdelay $0x1  }
0x46: {  	v8 =	vor.u32 v2, v9;
	_ =	sdelay $0x3  }
0x47: {  	[tilespmem:s8+$0xFFFFFFE0] =	vst v7  }
0x48: {  	v7 =	vld.idx.msk [tilespmem:v8+s4+$0x0], $0xffff;
	_ =	sdelay $0x1  }
0x49: {  	v8 =	vor.u32 v3, v9;
	_ =	sdelay $0x3  }
0x4a: {  	[tilespmem:s8+$0xFFFFFFF0] =	vst v7  }
0x4b: {  	v7 =	vld.idx.msk [tilespmem:v8+s4+$0x0], $0xffff;
	_ =	sdelay $0x1  }
0x4c: {  	v8 =	vor.u32 v4, v9;
	_ =	sdelay $0x3  }
0x4d: {  	[tilespmem:s8+$0x0] =	vst v7  }
0x4e: {  	v7 =	vld.idx.msk [tilespmem:v8+s4+$0x0], $0xffff;
	_ =	sdelay $0x1  }
0x4f: {  	v8 =	vor.u32 v5, v9;
	_ =	sdelay $0x3  }
0x50: {  	[tilespmem:s8+$0x10] =	vst v7  }
0x51: {  	v8 =	vld.idx.msk [tilespmem:v8+s4+$0x0], $0xffff  }
.Ltmp0:
0x52: {  	(pc) =	sbr.rel @p0 .LBB2_2-.Ltmp0, $2  }
0x53: {  	v7 =	vor.u32 v6, v9;
	_ =	sdelay $0x2  }
0x54: {  	v9 =	vmov s9;
	s9 =	sadd.s32 $0x1, s9  }
0x55: {  	_ =	sdelay $0x1  }
0x56: {  	v9 =	vand.u32 $0x7F, v9  }
0x57: {  	[tilespmem:s8+$0x20] =	vst v8;
	v8 =	vbroadcast v9, $0x0  }
0x58: {  	v7 =	vld.idx.msk [tilespmem:v7+s4+$0x0], $0xffff  }
0x59: {  	v9 =	vor.u32 v0, v8;
	_ =	sdelay $0x3  }
0x5a: {  	[tilespmem:s8+$0x28] =	vst v7  }
0x5b: {  	v7 =	vld.idx.msk [tilespmem:v9+s4+$0x0], $0xffff  }
0x5c: {  	v9 =	vor.u32 v1, v8;
	_ =	sdelay $0x2  }
0x5d: {  	s10 =	sadd.s32 $0xC8, s8  }
0x5e: {  	[tilespmem:s10+$0xFFFFFFD0] =	vst v7  }
0x5f: {  	v7 =	vld.idx.msk [tilespmem:v9+s4+$0x0], $0xffff  }
0x60: {  	v9 =	vor.u32 v2, v8;
	_ =	sdelay $0x3  }
0x61: {  	[tilespmem:s10+$0xFFFFFFE0] =	vst v7  }
0x62: {  	v7 =	vld.idx.msk [tilespmem:v9+s4+$0x0], $0xffff  }
0x63: {  	v9 =	vor.u32 v3, v8;
	_ =	sdelay $0x3  }
0x64: {  	[tilespmem:s10+$0xFFFFFFF0] =	vst v7  }
0x65: {  	v7 =	vld.idx.msk [tilespmem:v9+s4+$0x0], $0xffff  }
0x66: {  	v9 =	vor.u32 v4, v8;
	_ =	sdelay $0x3  }
0x67: {  	[tilespmem:s10+$0x0] =	vst v7  }
0x68: {  	v7 =	vld.idx.msk [tilespmem:v9+s4+$0x0], $0xffff  }
0x69: {  	v9 =	vor.u32 v5, v8;
	_ =	sdelay $0x3  }
0x6a: {  	[tilespmem:s10+$0x10] =	vst v7  }
0x6b: {  	v7 =	vld.idx.msk [tilespmem:v9+s4+$0x0], $0xffff  }
0x6c: {  	v8 =	vor.u32 v6, v8;
	_ =	sdelay $0x3  }
0x6d: {  	[tilespmem:s10+$0x20] =	vst v7  }
0x6e: {  	s9 =	simm.s32 $0x0;
	v7 =	vld.idx.msk [tilespmem:v8+s4+$0x0], $0xffff  }
0x6f: {  	v8 =	vmov s9  }
0x70: {  	v8 =	vand.u32 $0x7F, v8  }
0x71: {  	v9 =	vbroadcast v8, $0x0;
	_ =	sdelay $0x1  }
0x72: {  	s18 =	rddreg [dreg:$0xb];
	[tilespmem:s10+$0x28] =	vst v7;
	v7 =	vor.u32 v0, v9  }
0x73: {  	[tilespmem:s9], [sflag:$0x8] =	stream.strided.gather [hbm4b:s18+s17], $0x3000, s11, s17, $0x38;
	[tilespmem:$0x1F480] =	vst v63  }
0x74: {  	_ =	swait.ge [sflag:s16], $0x3000  }
0x75: {  	[sflag:s16] =	ssyncset.done $0x0  }
0x76: {  	[sflag:s16] =	ssyncadd.s32 $0xFFFFD000  }
0x77: {  	v7 =	vld.idx.msk [tilespmem:v7+s4+$0x0], $0xffff  }
0x78: {  	v8 =	vor.u32 v1, v9;
	_ =	sdelay $0x2  }
0x79: {  	s8 =	simm.s32 $0x34B8  }
0x7a: {  	[tilespmem:s8+$0xFFFFFFB0] =	vst v7  }
0x7b: {  	v7 =	vld.idx.msk [tilespmem:v8+s4+$0x0], $0xffff  }
0x7c: {  	v8 =	vor.u32 v2, v9;
	_ =	sdelay $0x3  }
0x7d: {  	[tilespmem:s8+$0xFFFFFFC0] =	vst v7  }
0x7e: {  	v7 =	vld.idx.msk [tilespmem:v8+s4+$0x0], $0xffff  }
0x7f: {  	v8 =	vor.u32 v3, v9;
	_ =	sdelay $0x3  }
0x80: {  	[tilespmem:s8+$0xFFFFFFD0] =	vst v7  }
0x81: {  	v7 =	vld.idx.msk [tilespmem:v8+s4+$0x0], $0xffff  }
0x82: {  	v8 =	vor.u32 v4, v9;
	_ =	sdelay $0x3  }
0x83: {  	[tilespmem:s8+$0xFFFFFFE0] =	vst v7  }
0x84: {  	v8 =	vld.idx.msk [tilespmem:v8+s4+$0x0], $0xffff  }
0x85: {  	v7 =	vor.u32 v5, v9;
	_ =	sdelay $0x1  }
0x86: {  	s20 =	simm.s32 $0x1  }
0x87: {  	s9 =	simm.s32 $0x2;
	v9 =	vmov s20  }
.LBB2_4:
0x88: {  	p0 =	sne.s32 s9, $0x7F;
	v9 =	vand.u32 $0x7F, v9;
	[tilespmem:s8+$0xFFFFFFF0] =	vst v8  }
0x89: {  	v9 =	vbroadcast v9, $0x0;
	v7 =	vld.idx.msk [tilespmem:v7+s4+$0x0], $0xffff;
	_ =	sdelay $0x1  }
0x8a: {  	v8 =	vor.u32 v0, v9;
	_ =	sdelay $0x3  }
0x8b: {  	[tilespmem:s8+$0x0] =	vst v7  }
0x8c: {  	v7 =	vld.idx.msk [tilespmem:v8+s4+$0x0], $0xffff;
	_ =	sdelay $0x1  }
0x8d: {  	v8 =	vor.u32 v1, v9;
	_ =	sdelay $0x2  }
0x8e: {  	s8 =	sadd.s32 $0xC8, s8  }
0x8f: {  	[tilespmem:s8+$0xFFFFFFB0] =	vst v7  }
0x90: {  	v7 =	vld.idx.msk [tilespmem:v8+s4+$0x0], $0xffff;
	_ =	sdelay $0x1  }
0x91: {  	v8 =	vor.u32 v2, v9;
	_ =	sdelay $0x3  }
0x92: {  	[tilespmem:s8+$0xFFFFFFC0] =	vst v7  }
0x93: {  	v7 =	vld.idx.msk [tilespmem:v8+s4+$0x0], $0xffff;
	_ =	sdelay $0x1  }
0x94: {  	v8 =	vor.u32 v3, v9;
	_ =	sdelay $0x3  }
0x95: {  	[tilespmem:s8+$0xFFFFFFD0] =	vst v7  }
0x96: {  	v7 =	vld.idx.msk [tilespmem:v8+s4+$0x0], $0xffff;
	_ =	sdelay $0x1  }
0x97: {  	v8 =	vor.u32 v4, v9;
	_ =	sdelay $0x3  }
0x98: {  	[tilespmem:s8+$0xFFFFFFE0] =	vst v7  }
0x99: {  	v8 =	vld.idx.msk [tilespmem:v8+s4+$0x0], $0xffff  }
.Ltmp1:
0x9a: {  	(pc) =	sbr.rel @p0 .LBB2_4-.Ltmp1, $2  }
0x9b: {  	v7 =	vor.u32 v5, v9;
	_ =	sdelay $0x2  }
0x9c: {  	v9 =	vmov s9;
	s9 =	sadd.s32 $0x1, s9  }
0x9d: {  	_ =	sdelay $0x1  }
0x9e: {  	v9 =	vand.u32 $0x7F, v9  }
0x9f: {  	[tilespmem:s8+$0xFFFFFFF0] =	vst v8;
	v8 =	vbroadcast v9, $0x0  }
0xa0: {  	v7 =	vld.idx.msk [tilespmem:v7+s4+$0x0], $0xffff  }
0xa1: {  	v9 =	vor.u32 v0, v8;
	_ =	sdelay $0x3  }
0xa2: {  	[tilespmem:s8+$0x0] =	vst v7  }
0xa3: {  	v7 =	vld.idx.msk [tilespmem:v9+s4+$0x0], $0xffff  }
0xa4: {  	v60 =	vor.u32 v1, v8;
	_ =	sdelay $0x2  }
0xa5: {  	s9 =	sadd.s32 $0xC8, s8  }
0xa6: {  	[tilespmem:s9+$0xFFFFFFB0] =	vst v7  }
0xa7: {  	v7 =	vld.idx.msk [tilespmem:v60+s4+$0x0], $0xffff  }
0xa8: {  	v61 =	vor.u32 v2, v8;
	_ =	sdelay $0x3  }
0xa9: {  	[tilespmem:s9+$0xFFFFFFC0] =	vst v7  }
0xaa: {  	v7 =	vld.idx.msk [tilespmem:v61+s4+$0x0], $0xffff  }
0xab: {  	v62 =	vor.u32 v3, v8;
	_ =	sdelay $0x3  }
0xac: {  	[tilespmem:s9+$0xFFFFFFD0] =	vst v7  }
0xad: {  	v7 =	vld.idx.msk [tilespmem:v62+s4+$0x0], $0xffff  }
0xae: {  	v63 =	vor.u32 v4, v8;
	_ =	sdelay $0x3  }
0xaf: {  	[tilespmem:s9+$0xFFFFFFE0] =	vst v7  }
0xb0: {  	v7 =	vld.idx.msk [tilespmem:v63+s4+$0x0], $0xffff  }
0xb1: {  	v8 =	vor.u32 v5, v8;
	_ =	sdelay $0x3  }
0xb2: {  	[tilespmem:s9+$0xFFFFFFF0] =	vst v7  }
0xb3: {  	v7 =	vld.idx.msk [tilespmem:v8+s4+$0x0], $0xffff;
	_ =	sdelay $0x4  }
0xb4: {  	s10 =	simm.s32 $0x3400;
	[tilespmem:s9+$0x0] =	vst v7  }
0xb5: {  	[tilespmem:s23], [sflag:$0x2] =	stream.indirect.gather [hbm4b:s1+s21], $0x80, s10, s21, $0xb8;
	[tilespmem:$0x1F480] =	vst v63  }
0xb6: {  	s11 =	simm.s32 $0x3468  }
0xb7: {  	[tilespmem:s26], [sflag:$0x2] =	stream.indirect.gather [hbm4b:s1+s24], $0x80, s11, s24, $0xb8;
	[tilespmem:$0x1F480] =	vst v63  }
0xb8: {  	s18 =	simm.s32 $0x34C8  }
0xb9: {  	[tilespmem:s29], [sflag:$0x3] =	stream.indirect.gather [hbm4b:s1+s21], $0x80, s18, s21, $0xb8;
	[tilespmem:$0x1F480] =	vst v63  }
0xba: {  	s20 =	simm.s32 $0x3530;
	s18 =	simm.s32 $0x0  }
0xbb: {  	[tilespmem:s31], [sflag:$0x3] =	stream.indirect.gather [hbm4b:s1+s24], $0x80, s20, s24, $0xb8;
	[tilespmem:$0x1F480] =	vst v63  }
.LBB2_6:
0xbc: {  	s20 =	smul.u32 $0x3, s18;
	_ =	swait.ge [sflag:s3], $0x3400  }
0xbd: {  	[sflag:s3] =	ssyncset.done $0x0  }
0xbe: {  	[sflag:s3] =	ssyncadd.s32 $0xFFFFCC00;
	s8 =	sadd.s32 s5, s20  }
0xbf: {  	_ =	swait.ge [sflag:s3], $0x3000;
	s8 =	smul.u32 $0xC80, s8  }
0xc0: {  	[sflag:s3] =	ssyncset.done $0x0  }
0xc1: {  	[sflag:s3] =	ssyncadd.s32 $0xFFFFD000;
	s8 =	sadd.s32 s2, s8  }
0xc2: {  	[hbm4b:s8+s4] =	stream.linear.scatter [tilespmem:s23], [sflag:$0x5], $0x6400, $0x38;
	[tilespmem:$0x1F480] =	vst v63  }
0xc3: {  	p0 =	seq.s32 s18, $0x0;
	s8 =	sadd.s32 $0x2, s20  }
0xc4: {  	s9 =	simm.s32 @!p0 $0x7;
	s10 =	smul.u32 $0x320, s8  }
0xc5: {  	_ =	swait.ge @!p0 [sflag:s9], $0x6400  }
0xc6: {  	[sflag:s9] =	ssyncset.done @!p0 $0x0;
	s10 =	sshra.s32 s10, $0x2  }
0xc7: {  	[sflag:s9] =	ssyncadd.s32 @!p0 $0xFFFF9C00;
	s11 =	sadd.s32 $0x3400, s10  }
0xc8: {  	[tilespmem:s0], [sflag:$0x4] =	stream.indirect.gather [hbm4b:s1+s21], $0x80, s11, s21, $0xb8;
	[tilespmem:$0x1F480] =	vst v63  }
0xc9: {  	s10 =	sadd.s32 $0x3468, s10;
	s11 =	simm.s32 $0x9900  }
0xca: {  	[tilespmem:s22], [sflag:$0x4] =	stream.indirect.gather [hbm4b:s1+s24], $0x80, s10, s24, $0xb8;
	[tilespmem:$0x1F480] =	vst v63  }
0xcb: {  	v7 =	vld [tilespmem:s11+$0x80]  }
0xcc: {  	v8 =	vld [tilespmem:s11+$0x90]  }
0xcd: {  	v9 =	vld [tilespmem:s11+$0x0]  }
0xce: {  	v10 =	vld [tilespmem:s11+$0x10]  }
0xcf: {  	v16 =	vld [tilespmem:s11+$0xFFFFFF80]  }
0xd0: {  	v19 =	vld [tilespmem:s11+$0xFFFFFF90]  }
0xd1: {  	v12 =	vld [tilespmem:s11+$0xFFFFFF00]  }
0xd2: {  	v13 =	vld [tilespmem:s11+$0xFFFFFF10]  }
0xd3: {  	v17 =	vld [tilespmem:s11+$0xFFFFFF20]  }
0xd4: {  	v20 =	vld [tilespmem:s11+$0xFFFFFF30]  }
0xd5: {  	v14 =	vld [tilespmem:s11+$0xFFFFFFA0]  }
0xd6: {  	v15 =	vld [tilespmem:s11+$0xFFFFFFB0]  }
0xd7: {  	v21 =	vimm.f32 $0.0e+00;
	v11 =	vld [tilespmem:s11+$0x20]  }
0xd8: {  	v22 =	vadd.f32 v12, v21;
	v23 =	vadd.f32 v13, v21;
	v13 =	vld [tilespmem:s11+$0x30]  }
0xd9: {  	v18 =	vadd.f32 v17, v21;
	v17 =	vadd.f32 v20, v21;
	v12 =	vld [tilespmem:s11+$0xA0]  }
0xda: {  	s9 =	simm.s32 $0x0;
	s10 =	simm.s32 $0x9B00;
	v20 =	vadd.f32 v16, v22;
	v19 =	vadd.f32 v19, v23;
	v16 =	vld [tilespmem:s11+$0xB0]  }
.LBB2_7:
0xdb: {  	v21 =	vld [tilespmem:s10+$0x80];
	v14 =	vadd.f32 v14, v18;
	v15 =	vadd.f32 v15, v17  }
0xdc: {  	v17 =	vld [tilespmem:s10+$0x90];
	v18 =	vadd.f32 v9, v20;
	v19 =	vadd.f32 v10, v19  }
0xdd: {  	v9 =	vld [tilespmem:s10+$0x0];
	v11 =	vadd.f32 v11, v14;
	v13 =	vadd.f32 v13, v15  }
0xde: {  	v10 =	vld [tilespmem:s10+$0x10];
	v18 =	vadd.f32 v7, v18;
	v19 =	vadd.f32 v8, v19  }
0xdf: {  	v20 =	vld [tilespmem:s10+$0xFFFFFF80];
	v12 =	vadd.f32 v12, v11;
	v16 =	vadd.f32 v16, v13  }
0xe0: {  	v22 =	vld [tilespmem:s10+$0xFFFFFF90];
	v7 =	vmov v21  }
0xe1: {  	v13 =	vld [tilespmem:s10+$0xFFFFFF00];
	v8 =	vmov v17  }
0xe2: {  	v17 =	vld [tilespmem:s10+$0xFFFFFF10]  }
0xe3: {  	v21 =	vld [tilespmem:s10+$0xFFFFFF20]  }
0xe4: {  	s9 =	sadd.s32 $0x4, s9;
	v23 =	vld [tilespmem:s10+$0xFFFFFF30]  }
0xe5: {  	p0 =	slt.u32 s9, $0xC4;
	v14 =	vld [tilespmem:s10+$0xFFFFFFA0]  }
.Ltmp2:
0xe6: {  	v15 =	vld [tilespmem:s10+$0xFFFFFFB0];
	(pc) =	sbr.rel @p0 .LBB2_7-.Ltmp2, $4  }
0xe7: {  	v11 =	vld [tilespmem:s10+$0x20]  }
0xe8: {  	v24 =	vadd.f32 v13, v18;
	v19 =	vadd.f32 v17, v19;
	v13 =	vld [tilespmem:s10+$0x30]  }
0xe9: {  	v18 =	vadd.f32 v21, v12;
	v17 =	vadd.f32 v23, v16;
	v12 =	vld [tilespmem:s10+$0xA0]  }
0xea: {  	v20 =	vadd.f32 v20, v24;
	v19 =	vadd.f32 v22, v19;
	v16 =	vld [tilespmem:s10+$0xB0];
	s10 =	sadd.s32 $0x200, s10  }
0xeb: {  	_ = 	snop  }
0xec: {  	v14 =	vadd.f32 v14, v18;
	v9 =	vadd.f32 v9, v20  }
0xed: {  	v15 =	vadd.f32 v15, v17;
	s9 =	smul.u32 $0x300, s18;
	v10 =	vadd.f32 v10, v19  }
0xee: {  	v11 =	vadd.f32 v11, v14;
	v7 =	vadd.f32 v7, v9  }
0xef: {  	s9 =	sshra.s32 s9, $0x2;
	v9 =	vadd.f32 v13, v15;
	v8 =	vadd.f32 v8, v10  }
0xf0: {  	v10 =	vadd.f32 v12, v11;
	[tilespmem:s9+$0x1C400] =	vst v7  }
0xf1: {  	v7 =	vadd.f32 v16, v9;
	[tilespmem:s9+$0x1C410] =	vst v8  }
0xf2: {  	[tilespmem:s9+$0x1C420] =	vst v10  }
0xf3: {  	[tilespmem:s9+$0x1C430] =	vst v7  }
0xf4: {  	_ =	swait.ge [sflag:s25], $0x3400  }
0xf5: {  	s9 =	sadd.s32 $0x1, s20;
	[sflag:s25] =	ssyncset.done $0x0  }
0xf6: {  	s10 =	sadd.s32 s5, s9;
	[sflag:s25] =	ssyncadd.s32 $0xFFFFCC00  }
0xf7: {  	s10 =	smul.u32 $0xC80, s10;
	_ =	swait.ge [sflag:s25], $0x3000  }
0xf8: {  	s11 =	simm.s32 $0xFC00;
	[sflag:s25] =	ssyncset.done $0x0  }
0xf9: {  	s20 =	smul.u32 $0x960, s18;
	s10 =	sadd.s32 s2, s10;
	[sflag:s25] =	ssyncadd.s32 $0xFFFFD000  }
0xfa: {  	[hbm4b:s10+s4] =	stream.linear.scatter [tilespmem:s11], [sflag:$0x6], $0x6400, $0x38;
	[tilespmem:$0x1F480] =	vst v63  }
0xfb: {  	_ =	swait.ge [sflag:s28], $0x6400  }
0xfc: {  	s20 =	sshra.s32 s20, $0x2;
	[sflag:s28] =	ssyncset.done $0x0  }
0xfd: {  	s10 =	sadd.s32 $0x3658, s20;
	[sflag:s28] =	ssyncadd.s32 $0xFFFF9C00  }
0xfe: {  	[tilespmem:s23], [sflag:$0x2] =	stream.indirect.gather [hbm4b:s1+s21], $0x80, s10, s21, $0xb8;
	[tilespmem:$0x1F480] =	vst v63  }
0xff: {  	s10 =	sadd.s32 $0x36C0, s20  }
0x100: {  	[tilespmem:s26], [sflag:$0x2] =	stream.indirect.gather [hbm4b:s1+s24], $0x80, s10, s24, $0xb8;
	[tilespmem:$0x1F480] =	vst v63  }
0x101: {  	v7 =	vld [tilespmem:s11+$0x180]  }
0x102: {  	v8 =	vld [tilespmem:s11+$0x190]  }
0x103: {  	v9 =	vld [tilespmem:s11+$0x100]  }
0x104: {  	v10 =	vld [tilespmem:s11+$0x110]  }
0x105: {  	v16 =	vld [tilespmem:s11+$0x80]  }
0x106: {  	v19 =	vld [tilespmem:s11+$0x90]  }
0x107: {  	v12 =	vld [tilespmem:s11+$0x0]  }
0x108: {  	v13 =	vld [tilespmem:s11+$0x10]  }
0x109: {  	v17 =	vld [tilespmem:s11+$0x20]  }
0x10a: {  	v20 =	vld [tilespmem:s11+$0x30]  }
0x10b: {  	v14 =	vld [tilespmem:s11+$0xA0]  }
0x10c: {  	v15 =	vld [tilespmem:s11+$0xB0]  }
0x10d: {  	v21 =	vimm.f32 $0.0e+00;
	v11 =	vld [tilespmem:s11+$0x120]  }
0x10e: {  	v22 =	vadd.f32 v12, v21;
	v23 =	vadd.f32 v13, v21;
	v13 =	vld [tilespmem:s11+$0x130]  }
0x10f: {  	v18 =	vadd.f32 v17, v21;
	v17 =	vadd.f32 v20, v21;
	v12 =	vld [tilespmem:s11+$0x1A0]  }
0x110: {  	s10 =	simm.s32 $0x0;
	v20 =	vadd.f32 v16, v22;
	v19 =	vadd.f32 v19, v23;
	v16 =	vld [tilespmem:s11+$0x1B0];
	s11 =	simm.s32 $0xFE00  }
.LBB2_9:
0x111: {  	v21 =	vld [tilespmem:s11+$0x180];
	v14 =	vadd.f32 v14, v18;
	v15 =	vadd.f32 v15, v17  }
0x112: {  	v17 =	vld [tilespmem:s11+$0x190];
	v18 =	vadd.f32 v9, v20;
	v19 =	vadd.f32 v10, v19  }
0x113: {  	v9 =	vld [tilespmem:s11+$0x100];
	v11 =	vadd.f32 v11, v14;
	v13 =	vadd.f32 v13, v15  }
0x114: {  	v10 =	vld [tilespmem:s11+$0x110];
	v18 =	vadd.f32 v7, v18;
	v19 =	vadd.f32 v8, v19  }
0x115: {  	v20 =	vld [tilespmem:s11+$0x80];
	v12 =	vadd.f32 v12, v11;
	v16 =	vadd.f32 v16, v13  }
0x116: {  	v22 =	vld [tilespmem:s11+$0x90];
	v7 =	vmov v21  }
0x117: {  	v13 =	vld [tilespmem:s11+$0x0];
	v8 =	vmov v17  }
0x118: {  	v17 =	vld [tilespmem:s11+$0x10]  }
0x119: {  	v21 =	vld [tilespmem:s11+$0x20]  }
0x11a: {  	s10 =	sadd.s32 $0x4, s10;
	v23 =	vld [tilespmem:s11+$0x30]  }
0x11b: {  	p0 =	slt.u32 s10, $0xC4;
	v14 =	vld [tilespmem:s11+$0xA0]  }
.Ltmp3:
0x11c: {  	v15 =	vld [tilespmem:s11+$0xB0];
	(pc) =	sbr.rel @p0 .LBB2_9-.Ltmp3, $4  }
0x11d: {  	v11 =	vld [tilespmem:s11+$0x120]  }
0x11e: {  	v24 =	vadd.f32 v13, v18;
	v19 =	vadd.f32 v17, v19;
	v13 =	vld [tilespmem:s11+$0x130]  }
0x11f: {  	v18 =	vadd.f32 v21, v12;
	v17 =	vadd.f32 v23, v16;
	v12 =	vld [tilespmem:s11+$0x1A0]  }
0x120: {  	v20 =	vadd.f32 v20, v24;
	v19 =	vadd.f32 v22, v19;
	v16 =	vld [tilespmem:s11+$0x1B0];
	s11 =	sadd.s32 $0x200, s11  }
0x121: {  	_ = 	snop  }
0x122: {  	v14 =	vadd.f32 v14, v18;
	v9 =	vadd.f32 v9, v20  }
0x123: {  	v15 =	vadd.f32 v15, v17;
	v10 =	vadd.f32 v10, v19  }
0x124: {  	s9 =	sshll.u32 s9, $0x6;
	v11 =	vadd.f32 v11, v14;
	v7 =	vadd.f32 v7, v9  }
0x125: {  	s9 =	sand.u32 $0x3FFFFFC0, s9;
	v9 =	vadd.f32 v13, v15;
	v8 =	vadd.f32 v8, v10  }
0x126: {  	v10 =	vadd.f32 v12, v11;
	[tilespmem:s9+$0x1C400] =	vst v7  }
0x127: {  	v7 =	vadd.f32 v16, v9;
	[tilespmem:s9+$0x1C410] =	vst v8  }
0x128: {  	[tilespmem:s9+$0x1C420] =	vst v10  }
0x129: {  	[tilespmem:s9+$0x1C430] =	vst v7  }
0x12a: {  	_ =	swait.ge [sflag:s30], $0x3400  }
0x12b: {  	[sflag:s30] =	ssyncset.done $0x0  }
0x12c: {  	s10 =	sadd.s32 s5, s8;
	[sflag:s30] =	ssyncadd.s32 $0xFFFFCC00  }
0x12d: {  	s9 =	smul.u32 $0xC80, s10;
	_ =	swait.ge [sflag:s30], $0x3000  }
0x12e: {  	[sflag:s30] =	ssyncset.done $0x0  }
0x12f: {  	s10 =	simm.s32 $0x16000;
	s9 =	sadd.s32 s2, s9;
	[sflag:s30] =	ssyncadd.s32 $0xFFFFD000  }
0x130: {  	[hbm4b:s9+s4] =	stream.linear.scatter [tilespmem:s10], [sflag:$0x7], $0x6400, $0x38;
	[tilespmem:$0x1F480] =	vst v63  }
0x131: {  	_ =	swait.ge [sflag:s6], $0x6400  }
0x132: {  	[sflag:s6] =	ssyncset.done $0x0  }
0x133: {  	s11 =	sadd.s32 $0x3720, s20;
	[sflag:s6] =	ssyncadd.s32 $0xFFFF9C00  }
0x134: {  	[tilespmem:s29], [sflag:$0x3] =	stream.indirect.gather [hbm4b:s1+s21], $0x80, s11, s21, $0xb8;
	[tilespmem:$0x1F480] =	vst v63  }
0x135: {  	s20 =	sadd.s32 $0x3788, s20  }
0x136: {  	[tilespmem:s31], [sflag:$0x3] =	stream.indirect.gather [hbm4b:s1+s24], $0x80, s20, s24, $0xb8;
	[tilespmem:$0x1F480] =	vst v63  }
0x137: {  	v7 =	vld [tilespmem:s10+$0x180]  }
0x138: {  	v8 =	vld [tilespmem:s10+$0x190]  }
0x139: {  	v9 =	vld [tilespmem:s10+$0x100]  }
0x13a: {  	v10 =	vld [tilespmem:s10+$0x110]  }
0x13b: {  	v16 =	vld [tilespmem:s10+$0x80]  }
0x13c: {  	v19 =	vld [tilespmem:s10+$0x90]  }
0x13d: {  	v12 =	vld [tilespmem:s10+$0x0]  }
0x13e: {  	v13 =	vld [tilespmem:s10+$0x10]  }
0x13f: {  	v17 =	vld [tilespmem:s10+$0x20]  }
0x140: {  	v20 =	vld [tilespmem:s10+$0x30]  }
0x141: {  	v14 =	vld [tilespmem:s10+$0xA0]  }
0x142: {  	v15 =	vld [tilespmem:s10+$0xB0]  }
0x143: {  	v21 =	vimm.f32 $0.0e+00;
	v11 =	vld [tilespmem:s10+$0x120]  }
0x144: {  	v22 =	vadd.f32 v12, v21;
	v23 =	vadd.f32 v13, v21;
	v13 =	vld [tilespmem:s10+$0x130]  }
0x145: {  	v18 =	vadd.f32 v17, v21;
	v17 =	vadd.f32 v20, v21;
	v12 =	vld [tilespmem:s10+$0x1A0]  }
0x146: {  	s9 =	simm.s32 $0x0;
	v20 =	vadd.f32 v16, v22;
	v19 =	vadd.f32 v19, v23;
	v16 =	vld [tilespmem:s10+$0x1B0];
	s10 =	simm.s32 $0x16200  }
.LBB2_11:
0x147: {  	v21 =	vld [tilespmem:s10+$0x180];
	v14 =	vadd.f32 v14, v18;
	v15 =	vadd.f32 v15, v17  }
0x148: {  	v17 =	vld [tilespmem:s10+$0x190];
	v18 =	vadd.f32 v9, v20;
	v19 =	vadd.f32 v10, v19  }
0x149: {  	v9 =	vld [tilespmem:s10+$0x100];
	v11 =	vadd.f32 v11, v14;
	v13 =	vadd.f32 v13, v15  }
0x14a: {  	v10 =	vld [tilespmem:s10+$0x110];
	v18 =	vadd.f32 v7, v18;
	v19 =	vadd.f32 v8, v19  }
0x14b: {  	v20 =	vld [tilespmem:s10+$0x80];
	v12 =	vadd.f32 v12, v11;
	v16 =	vadd.f32 v16, v13  }
0x14c: {  	v22 =	vld [tilespmem:s10+$0x90];
	v7 =	vmov v21  }
0x14d: {  	v13 =	vld [tilespmem:s10+$0x0];
	v8 =	vmov v17  }
0x14e: {  	v17 =	vld [tilespmem:s10+$0x10]  }
0x14f: {  	v21 =	vld [tilespmem:s10+$0x20]  }
0x150: {  	s9 =	sadd.s32 $0x4, s9;
	v23 =	vld [tilespmem:s10+$0x30]  }
0x151: {  	p0 =	slt.u32 s9, $0xC4;
	v14 =	vld [tilespmem:s10+$0xA0]  }
.Ltmp4:
0x152: {  	v15 =	vld [tilespmem:s10+$0xB0];
	(pc) =	sbr.rel @p0 .LBB2_11-.Ltmp4, $4  }
0x153: {  	v11 =	vld [tilespmem:s10+$0x120]  }
0x154: {  	v24 =	vadd.f32 v13, v18;
	v19 =	vadd.f32 v17, v19;
	v13 =	vld [tilespmem:s10+$0x130]  }
0x155: {  	v18 =	vadd.f32 v21, v12;
	v17 =	vadd.f32 v23, v16;
	v12 =	vld [tilespmem:s10+$0x1A0]  }
0x156: {  	v20 =	vadd.f32 v20, v24;
	v19 =	vadd.f32 v22, v19;
	v16 =	vld [tilespmem:s10+$0x1B0];
	s10 =	sadd.s32 $0x200, s10  }
0x157: {  	_ = 	snop  }
0x158: {  	v14 =	vadd.f32 v14, v18;
	v9 =	vadd.f32 v9, v20  }
0x159: {  	v15 =	vadd.f32 v15, v17;
	s18 =	sadd.s32 $0x1, s18;
	v10 =	vadd.f32 v10, v19  }
0x15a: {  	s8 =	sshll.u32 s8, $0x6;
	p0 =	sne.s32 s18, $0x2A;
	v11 =	vadd.f32 v11, v14;
	v7 =	vadd.f32 v7, v9  }
.Ltmp5:
0x15b: {  	s8 =	sand.u32 $0x3FFFFFC0, s8;
	v62 =	vadd.f32 v13, v15;
	v8 =	vadd.f32 v8, v10;
	(pc) =	sbr.rel @p0 .LBB2_6-.Ltmp5, $4  }
0x15c: {  	v63 =	vadd.f32 v12, v11;
	[tilespmem:s8+$0x1C400] =	vst v7  }
0x15d: {  	v7 =	vadd.f32 v16, v62;
	[tilespmem:s8+$0x1C410] =	vst v8  }
0x15e: {  	[tilespmem:s8+$0x1C420] =	vst v63  }
0x15f: {  	[tilespmem:s8+$0x1C430] =	vst v7  }
0x160: {  	_ =	swait.ge [sflag:s3], $0x3400  }
0x161: {  	[sflag:s3] =	ssyncset.done $0x0  }
0x162: {  	[sflag:s3] =	ssyncadd.s32 $0xFFFFCC00  }
0x163: {  	_ =	swait.ge [sflag:s3], $0x3000  }
0x164: {  	[sflag:s3] =	ssyncset.done $0x0  }
0x165: {  	s8 =	rddreg [dreg:$0xc];
	[sflag:s3] =	ssyncadd.s32 $0xFFFFD000  }
0x166: {  	[hbm4b:s8+s4] =	stream.linear.scatter [tilespmem:s23], [sflag:$0x5], $0x6400, $0x38;
	[tilespmem:$0x1F480] =	vst v63  }
0x167: {  	_ =	swait.ge [sflag:s15], $0x6400  }
0x168: {  	[sflag:s15] =	ssyncset.done $0x0  }
0x169: {  	s9 =	simm.s32 $0x9900;
	[sflag:s15] =	ssyncadd.s32 $0xFFFF9C00  }
0x16a: {  	v7 =	vld [tilespmem:s9+$0x80]  }
0x16b: {  	v8 =	vld [tilespmem:s9+$0x90]  }
0x16c: {  	v9 =	vld [tilespmem:s9+$0x0]  }
0x16d: {  	v10 =	vld [tilespmem:s9+$0x10]  }
0x16e: {  	v16 =	vld [tilespmem:s9+$0xFFFFFF80]  }
0x16f: {  	v19 =	vld [tilespmem:s9+$0xFFFFFF90]  }
0x170: {  	v12 =	vld [tilespmem:s9+$0xFFFFFF00]  }
0x171: {  	v14 =	vld [tilespmem:s9+$0xFFFFFF10]  }
0x172: {  	v17 =	vld [tilespmem:s9+$0xFFFFFF20]  }
0x173: {  	v20 =	vld [tilespmem:s9+$0xFFFFFF30]  }
0x174: {  	v13 =	vld [tilespmem:s9+$0xFFFFFFA0]  }
0x175: {  	v15 =	vld [tilespmem:s9+$0xFFFFFFB0]  }
0x176: {  	v21 =	vimm.f32 $0.0e+00;
	v11 =	vld [tilespmem:s9+$0x20]  }
0x177: {  	v22 =	vadd.f32 v12, v21;
	v23 =	vadd.f32 v14, v21;
	v14 =	vld [tilespmem:s9+$0x30]  }
0x178: {  	v18 =	vadd.f32 v17, v21;
	v17 =	vadd.f32 v20, v21;
	v12 =	vld [tilespmem:s9+$0xA0]  }
0x179: {  	s8 =	simm.s32 $0x0;
	v20 =	vadd.f32 v16, v22;
	v19 =	vadd.f32 v19, v23;
	v16 =	vld [tilespmem:s9+$0xB0];
	s9 =	simm.s32 $0x9B00  }
.LBB2_14:
0x17a: {  	v21 =	vld [tilespmem:s9+$0x80];
	v13 =	vadd.f32 v13, v18;
	v15 =	vadd.f32 v15, v17  }
0x17b: {  	v17 =	vld [tilespmem:s9+$0x90];
	v18 =	vadd.f32 v9, v20;
	v19 =	vadd.f32 v10, v19  }
0x17c: {  	v9 =	vld [tilespmem:s9+$0x0];
	v11 =	vadd.f32 v11, v13;
	v13 =	vadd.f32 v14, v15  }
0x17d: {  	v10 =	vld [tilespmem:s9+$0x10];
	v14 =	vadd.f32 v7, v18;
	v18 =	vadd.f32 v8, v19  }
0x17e: {  	v19 =	vld [tilespmem:s9+$0xFFFFFF80];
	v12 =	vadd.f32 v12, v11;
	v16 =	vadd.f32 v16, v13  }
0x17f: {  	v22 =	vld [tilespmem:s9+$0xFFFFFF90];
	v7 =	vmov v21  }
0x180: {  	v20 =	vld [tilespmem:s9+$0xFFFFFF00];
	v8 =	vmov v17  }
0x181: {  	v17 =	vld [tilespmem:s9+$0xFFFFFF10]  }
0x182: {  	v21 =	vld [tilespmem:s9+$0xFFFFFF20]  }
0x183: {  	s8 =	sadd.s32 $0x4, s8;
	v23 =	vld [tilespmem:s9+$0xFFFFFF30]  }
0x184: {  	p0 =	slt.u32 s8, $0xC4;
	v13 =	vld [tilespmem:s9+$0xFFFFFFA0]  }
.Ltmp6:
0x185: {  	v15 =	vld [tilespmem:s9+$0xFFFFFFB0];
	(pc) =	sbr.rel @p0 .LBB2_14-.Ltmp6, $4  }
0x186: {  	v11 =	vld [tilespmem:s9+$0x20]  }
0x187: {  	v20 =	vadd.f32 v20, v14;
	v24 =	vadd.f32 v17, v18;
	v14 =	vld [tilespmem:s9+$0x30]  }
0x188: {  	v18 =	vadd.f32 v21, v12;
	v17 =	vadd.f32 v23, v16;
	v12 =	vld [tilespmem:s9+$0xA0]  }
0x189: {  	v20 =	vadd.f32 v19, v20;
	v19 =	vadd.f32 v22, v24;
	v16 =	vld [tilespmem:s9+$0xB0];
	s9 =	sadd.s32 $0x200, s9  }
0x18a: {  	_ = 	snop  }
0x18b: {  	v13 =	vadd.f32 v13, v18;
	v9 =	vadd.f32 v9, v20  }
0x18c: {  	v15 =	vadd.f32 v15, v17;
	v10 =	vadd.f32 v10, v19  }
0x18d: {  	v11 =	vadd.f32 v11, v13;
	v7 =	vadd.f32 v7, v9  }
0x18e: {  	v9 =	vadd.f32 v14, v15;
	v8 =	vadd.f32 v8, v10  }
0x18f: {  	v10 =	vadd.f32 v12, v11;
	[tilespmem:$0x1E380] =	vst v7  }
0x190: {  	v7 =	vadd.f32 v16, v9;
	[tilespmem:$0x1E390] =	vst v8  }
0x191: {  	[tilespmem:$0x1E3A0] =	vst v10  }
0x192: {  	[tilespmem:$0x1E3B0] =	vst v7  }
0x193: {  	_ =	swait.ge [sflag:s25], $0x3400  }
0x194: {  	[sflag:s25] =	ssyncset.done $0x0  }
0x195: {  	[sflag:s25] =	ssyncadd.s32 $0xFFFFCC00  }
0x196: {  	_ =	swait.ge [sflag:s25], $0x3000  }
0x197: {  	[sflag:s25] =	ssyncset.done $0x0  }
0x198: {  	s9 =	simm.s32 $0xFC00;
	[sflag:s25] =	ssyncadd.s32 $0xFFFFD000  }
0x199: {  	[hbm4b:s12+s4] =	stream.linear.scatter [tilespmem:s9], [sflag:$0x6], $0x6400, $0x38;
	[tilespmem:$0x1F480] =	vst v63  }
0x19a: {  	_ =	swait.ge [sflag:s28], $0x6400  }
0x19b: {  	[sflag:s28] =	ssyncset.done $0x0  }
0x19c: {  	[sflag:s28] =	ssyncadd.s32 $0xFFFF9C00  }
0x19d: {  	v7 =	vld [tilespmem:s9+$0x180]  }
0x19e: {  	v8 =	vld [tilespmem:s9+$0x190]  }
0x19f: {  	v9 =	vld [tilespmem:s9+$0x100]  }
0x1a0: {  	v10 =	vld [tilespmem:s9+$0x110]  }
0x1a1: {  	v16 =	vld [tilespmem:s9+$0x80]  }
0x1a2: {  	v19 =	vld [tilespmem:s9+$0x90]  }
0x1a3: {  	v12 =	vld [tilespmem:s9+$0x0]  }
0x1a4: {  	v14 =	vld [tilespmem:s9+$0x10]  }
0x1a5: {  	v17 =	vld [tilespmem:s9+$0x20]  }
0x1a6: {  	v20 =	vld [tilespmem:s9+$0x30]  }
0x1a7: {  	v13 =	vld [tilespmem:s9+$0xA0]  }
0x1a8: {  	v15 =	vld [tilespmem:s9+$0xB0]  }
0x1a9: {  	v21 =	vimm.f32 $0.0e+00;
	v11 =	vld [tilespmem:s9+$0x120]  }
0x1aa: {  	v22 =	vadd.f32 v12, v21;
	v23 =	vadd.f32 v14, v21;
	v14 =	vld [tilespmem:s9+$0x130]  }
0x1ab: {  	v18 =	vadd.f32 v17, v21;
	v17 =	vadd.f32 v20, v21;
	v12 =	vld [tilespmem:s9+$0x1A0]  }
0x1ac: {  	s8 =	simm.s32 $0x0;
	s11 =	simm.s32 $0x1000;
	v20 =	vadd.f32 v16, v22;
	v19 =	vadd.f32 v19, v23;
	v16 =	vld [tilespmem:s9+$0x1B0];
	s9 =	simm.s32 $0xFE00  }
.LBB2_16:
0x1ad: {  	v21 =	vld [tilespmem:s9+$0x180];
	v13 =	vadd.f32 v13, v18;
	v15 =	vadd.f32 v15, v17  }
0x1ae: {  	v17 =	vld [tilespmem:s9+$0x190];
	v18 =	vadd.f32 v9, v20;
	v19 =	vadd.f32 v10, v19  }
0x1af: {  	v9 =	vld [tilespmem:s9+$0x100];
	v11 =	vadd.f32 v11, v13;
	v13 =	vadd.f32 v14, v15  }
0x1b0: {  	v10 =	vld [tilespmem:s9+$0x110];
	v14 =	vadd.f32 v7, v18;
	v18 =	vadd.f32 v8, v19  }
0x1b1: {  	v19 =	vld [tilespmem:s9+$0x80];
	v12 =	vadd.f32 v12, v11;
	v16 =	vadd.f32 v16, v13  }
0x1b2: {  	v22 =	vld [tilespmem:s9+$0x90];
	v7 =	vmov v21  }
0x1b3: {  	v20 =	vld [tilespmem:s9+$0x0];
	v8 =	vmov v17  }
0x1b4: {  	v17 =	vld [tilespmem:s9+$0x10]  }
0x1b5: {  	v21 =	vld [tilespmem:s9+$0x20]  }
0x1b6: {  	s8 =	sadd.s32 $0x4, s8;
	v23 =	vld [tilespmem:s9+$0x30]  }
0x1b7: {  	p0 =	slt.u32 s8, $0xC4;
	v13 =	vld [tilespmem:s9+$0xA0]  }
.Ltmp7:
0x1b8: {  	v15 =	vld [tilespmem:s9+$0xB0];
	(pc) =	sbr.rel @p0 .LBB2_16-.Ltmp7, $4  }
0x1b9: {  	v11 =	vld [tilespmem:s9+$0x120]  }
0x1ba: {  	v20 =	vadd.f32 v20, v14;
	v24 =	vadd.f32 v17, v18;
	v14 =	vld [tilespmem:s9+$0x130]  }
0x1bb: {  	v18 =	vadd.f32 v21, v12;
	v17 =	vadd.f32 v23, v16;
	v12 =	vld [tilespmem:s9+$0x1A0]  }
0x1bc: {  	v20 =	vadd.f32 v19, v20;
	v19 =	vadd.f32 v22, v24;
	v16 =	vld [tilespmem:s9+$0x1B0];
	s9 =	sadd.s32 $0x200, s9  }
0x1bd: {  	_ = 	snop  }
0x1be: {  	v13 =	vadd.f32 v13, v18;
	v9 =	vadd.f32 v9, v20  }
0x1bf: {  	v15 =	vadd.f32 v15, v17;
	v10 =	vadd.f32 v10, v19  }
0x1c0: {  	v11 =	vadd.f32 v11, v13;
	v7 =	vadd.f32 v7, v9  }
0x1c1: {  	v62 =	vadd.f32 v14, v15;
	v8 =	vadd.f32 v8, v10  }
0x1c2: {  	v63 =	vadd.f32 v12, v11;
	[tilespmem:$0x1E3C0] =	vst v7  }
0x1c3: {  	v7 =	vadd.f32 v16, v62;
	[tilespmem:$0x1E3D0] =	vst v8  }
0x1c4: {  	[tilespmem:$0x1E3E0] =	vst v63  }
0x1c5: {  	[tilespmem:$0x1E3F0] =	vst v7  }
0x1c6: {  	s7 =	sadd.s32 $0x1, s7;
	_ =	swait.ge [sflag:s6], $0x6400  }
0x1c7: {  	p0 =	sne.s32 s7, s14;
	[sflag:s6] =	ssyncset.done $0x0  }
.Ltmp8:
0x1c8: {  	s8 =	simm.s32 $0x1C400;
	[sflag:s6] =	ssyncadd.s32 $0xFFFF9C00;
	(pc) =	sbr.rel @p0 .LBB2_1-.Ltmp8, $4  }
0x1c9: {  	[hbm4b:s13+s4] =	stream.linear.scatter [tilespmem:s8], [sflag:$0x8], $0x2000, $0x38;
	[tilespmem:$0x1F480] =	vst v63  }
0x1ca: {  	_ =	swait.ge [sflag:s16], $0x2000  }
0x1cb: {  	[sflag:s16] =	ssyncset.done $0x0  }
0x1cc: {  	[sflag:s16] =	ssyncadd.s32 $0xFFFFE000  }
0x1cd: {  	_ =	sfence.sel $0x180000  }
0x1ce: {  	[bflag:$0x0] =	sbarrier.arrive $0xFFFF  }
0x1cf: {  	_ =	strace $0x90000047  }
0x1d0: {  	s0 =	stileid.u32;
	[bflag:$0x2] =	sbarrier.arrive $0xFFFF  }
0x1d1: {  	p0 =	sne.s32 s0, $0x0;
	s0 =	rddreg [dreg:$0x6]  }
0x1d2: {  	s0 =	sadd.s32 @!p0 $0x100000, s0  }
0x1d3: {  	[sflag:s0] =	ssyncadd.tile.s32 @!p0 $0x1;
	_ =	shalt  }
.Lfunc_end2:
_tile_overlayer_lowered:
.L_overlay_start_2:
0x1d4: {  	(tag) =	ssettag $0x2  }
0x1d5: {  	s0 =	rddreg [dreg:$0x0];
	s2 =	stileid.u32  }
0x1d6: {  	s1 =	rddreg [dreg:$0x1];
	p0 =	sne.s32 s2, $0x0  }
0x1d7: {  	s3 =	rddreg [dreg:$0x2];
	[bflag:$0x3] =	sbarrier.arrive $0xFFFF;
	s2 =	simm.s32 @!p0 $0x1C08  }
0x1d8: {  	[timem:s3], [sflag:s2] =	dma.local @!p0 [hbm:s0], s1  }
0x1d9: {  	s0 =	simm.s32 @!p0 $0x8  }
0x1da: {  	_ =	swait.ge @!p0 [sflag:s0], s1  }
0x1db: {  	s1 =	ssub.s32 @!p0 $0x0, s1;
	[sflag:s0] =	ssyncset.done @!p0 $0x0  }
0x1dc: {  	[sflag:s0] =	ssyncadd.s32 @!p0 s1  }
0x1dd: {  	[bflag:$0x3] =	sbarrier.arrive $0xFFFF  }
0x1de: {  	_ =	shalt  }

</sc_bundles>
